<compile_context>
chip_gen: v7x
topology: tpu7x:2x2x1
jax: 0.10.2.dev20260603
libtpu: 0.0.44.dev20260713+nightly
codegen_flags: <defaults>
</compile_context>

<pallas_src>
import functools

import jax
import jax.numpy as jnp
from jax import lax
from jax.experimental import pallas as pl
from jax.experimental.pallas import tpu as pltpu
from jax.experimental.pallas import tpu_sc as plsc

N = 50000
E = 800000
MSG = 16
HID = 16
T = 16
C = 64

NC = 2
NS = 16
NW = NC * NS

CH = 128
K = 196
EPT = K * CH
E_PAD = NW * EPT
NB = 8
ACC = 50048
RPT = ACC // NS
RPT_FULL = RPT // CH
RPT_REM = RPT - RPT_FULL * CH


def _sc_scatter(g_tab, src_m, type_m, dst_m):
    mesh = plsc.VectorSubcoreMesh(core_axis_name="c", subcore_axis_name="s")

    @functools.partial(
        pl.kernel,
        out_type=jax.ShapeDtypeStruct((NC, ACC, MSG), jnp.float32),
        mesh=mesh,
        compiler_params=pltpu.CompilerParams(use_tc_tiling_on_sc=False),
        scratch_types=[
            pltpu.VMEM((K, CH), jnp.int32),
            pltpu.VMEM((K, CH), jnp.int32),
            pltpu.VMEM((NB, CH, MSG), jnp.float32),
            pltpu.VMEM_SHARED((ACC, MSG), jnp.float32),
        ] + [pltpu.SemaphoreType.DMA] * NB,
    )
    def body(g_hbm, src_hbm, type_hbm, dst_hbm, out_hbm,
             gidx_v, aux_v, rows_v, accum_sh, *sems):
        cid = lax.axis_index("c")
        sid = lax.axis_index("s")
        wid = sid * NC + cid

        zeros16 = jnp.zeros((MSG,), jnp.float32)

        def zrow(i, carry):
            rows_v[0, i, :] = zeros16
            return carry

        lax.fori_loop(0, CH, zrow, 0)
        z0 = sid * RPT

        def zblk(i, carry):
            pltpu.sync_copy(rows_v.at[0], accum_sh.at[pl.ds(z0 + i * CH, CH)])
            return carry

        lax.fori_loop(0, RPT_FULL, zblk, 0)
        pltpu.sync_copy(rows_v.at[0, pl.ds(0, RPT_REM)],
                        accum_sh.at[pl.ds(z0 + RPT_FULL * CH, RPT_REM)])
        plsc.subcore_barrier()

        pltpu.sync_copy(src_hbm.at[wid], gidx_v)
        pltpu.sync_copy(type_hbm.at[wid], aux_v)

        def gcomp(j, carry):
            for k in range(CH // 16):
                s = gidx_v[j, pl.ds(k * 16, 16)]
                t = aux_v[j, pl.ds(k * 16, 16)]
                gidx_v[j, pl.ds(k * 16, 16)] = s * T + t
            return carry

        lax.fori_loop(0, K, gcomp, 0)
        pltpu.sync_copy(dst_hbm.at[wid], aux_v)

        def fire(j, b):
            return pltpu.async_copy(g_hbm.at[gidx_v.at[j]], rows_v.at[b], sems[b])

        def scat(j, b):
            pltpu.sync_copy(rows_v.at[b], accum_sh.at[aux_v.at[j]], add=True)

        def group(gi, carry):
            j0 = gi * NB
            hs = [fire(j0 + b, b) for b in range(NB)]
            for b in range(NB):
                hs[b].wait()
                scat(j0 + b, b)
            return carry

        n_full = K // NB
        lax.fori_loop(0, n_full, group, 0)
        tail = K - n_full * NB
        if tail:
            hs = [fire(n_full * NB + b, b) for b in range(tail)]
            for b in range(tail):
                hs[b].wait()
                scat(n_full * NB + b, b)

        plsc.subcore_barrier()
        pltpu.sync_copy(accum_sh.at[pl.ds(z0, RPT)],
                        out_hbm.at[cid, pl.ds(z0, RPT)])

    return body(g_tab, src_m, type_m, dst_m)


def _tc_messages(features, B):
    BN = 2000
    grid = N // BN

    def body(f_ref, b_ref, g_ref):
        g_ref[...] = jnp.dot(f_ref[...], b_ref[...],
                             preferred_element_type=jnp.float32)

    return pl.pallas_call(
        body,
        grid=(grid,),
        in_specs=[
            pl.BlockSpec((BN, HID), lambda i: (i, 0)),
            pl.BlockSpec((HID, T * MSG), lambda i: (0, 0)),
        ],
        out_specs=pl.BlockSpec((BN, T * MSG), lambda i: (i, 0)),
        out_shape=jax.ShapeDtypeStruct((N, T * MSG), jnp.float32),
    )(features, B)


def _tc_gru_readout(m0, m1, features, wih_t, whh_t, bih, bhh, wout_t, bout):
    BN = 2000
    grid = N // BN

    def body(m0_ref, m1_ref, f_ref, wih_ref, whh_ref, bih_ref, bhh_ref,
             wout_ref, bout_ref, out_ref):
        m = m0_ref[...] + m1_ref[...]
        f = f_ref[...]
        gi = jnp.dot(m, wih_ref[...], preferred_element_type=jnp.float32) + bih_ref[...]
        gh = jnp.dot(f, whh_ref[...], preferred_element_type=jnp.float32) + bhh_ref[...]
        i_r, i_z, i_n = gi[:, 0:HID], gi[:, HID:2 * HID], gi[:, 2 * HID:3 * HID]
        h_r, h_z, h_n = gh[:, 0:HID], gh[:, HID:2 * HID], gh[:, 2 * HID:3 * HID]
        r = jax.nn.sigmoid(i_r + h_r)
        z = jax.nn.sigmoid(i_z + h_z)
        n = jnp.tanh(i_n + r * h_n)
        h = (1.0 - z) * n + z * f
        out_ref[...] = jnp.dot(h, wout_ref[...],
                               preferred_element_type=jnp.float32) + bout_ref[...]

    row = lambda i: (i, 0)
    fixed = lambda i: (0, 0)
    return pl.pallas_call(
        body,
        grid=(grid,),
        in_specs=[
            pl.BlockSpec((BN, MSG), row),
            pl.BlockSpec((BN, MSG), row),
            pl.BlockSpec((BN, HID), row),
            pl.BlockSpec((MSG, 3 * HID), fixed),
            pl.BlockSpec((HID, 3 * HID), fixed),
            pl.BlockSpec((1, 3 * HID), fixed),
            pl.BlockSpec((1, 3 * HID), fixed),
            pl.BlockSpec((HID, C), fixed),
            pl.BlockSpec((1, C), fixed),
        ],
        out_specs=pl.BlockSpec((BN, C), row),
        out_shape=jax.ShapeDtypeStruct((N, C), jnp.float32),
    )(m0, m1, features, wih_t, whh_t, bih, bhh, wout_t, bout)


def kernel(features, edge_index, edge_type, edge_matrix,
           W_ih, W_hh, b_ih, b_hh, W_out, b_out):
    src = edge_index[0]
    dst = edge_index[1]

    B = edge_matrix.reshape(T, MSG, HID).transpose(2, 0, 1).reshape(HID, T * MSG)
    g = _tc_messages(features, B)
    g_tab = g.reshape(N * T, MSG)

    pad = E_PAD - E
    src_m = jnp.concatenate([src, jnp.zeros((pad,), jnp.int32)]).reshape(NW, K, CH)
    type_m = jnp.concatenate([edge_type, jnp.zeros((pad,), jnp.int32)]).reshape(NW, K, CH)
    dst_m = jnp.concatenate([dst, jnp.full((pad,), N, jnp.int32)]).reshape(NW, K, CH)

    partials = _sc_scatter(g_tab, src_m, type_m, dst_m)
    m0 = partials[0, :N]
    m1 = partials[1, :N]

    return _tc_gru_readout(
        m0, m1, features,
        W_ih.T, W_hh.T, b_ih.reshape(1, -1), b_hh.reshape(1, -1),
        W_out.T, b_out.reshape(1, -1),
    )

# --- scband reference (transcript-rebuilt; emitter-appended) ---
"""Pipeline reference for scband-ggnn-67173288510053 (READ-ONLY COPY).

The authoritative reference and input builder live on the scoring server;
editing this copy changes nothing except your own understanding.
"""

import jax, jax.numpy as jnp
import numpy as np

N = 50000
E = 800000
MSG = 16
HID = 16
NUM_EDGE_TYPE = 16
NUM_CLASSES = 64


def setup_inputs(seed: int = 0) -> dict:
    key = jax.random.key(seed)
    ks = jax.random.split(key, 10)
    features = jax.random.normal(ks[0], (N, HID), dtype=jnp.float32)
    edge_index = jax.random.randint(ks[1], (2, E), 0, N, dtype=jnp.int32)
    edge_type = jax.random.randint(ks[2], (E,), 0, NUM_EDGE_TYPE, dtype=jnp.int32)
    # learned params
    edge_matrix = jax.random.normal(ks[3], (NUM_EDGE_TYPE, MSG * HID), dtype=jnp.float32) * (1.0 / np.sqrt(HID))
    s = 1.0 / np.sqrt(HID)
    W_ih = jax.random.uniform(ks[4], (3 * HID, MSG), minval=-s, maxval=s, dtype=jnp.float32)
    W_hh = jax.random.uniform(ks[5], (3 * HID, HID), minval=-s, maxval=s, dtype=jnp.float32)
    b_ih = jax.random.uniform(ks[6], (3 * HID,), minval=-s, maxval=s, dtype=jnp.float32)
    b_hh = jax.random.uniform(ks[7], (3 * HID,), minval=-s, maxval=s, dtype=jnp.float32)
    W_out = jax.random.uniform(ks[8], (NUM_CLASSES, HID), minval=-s, maxval=s, dtype=jnp.float32)
    b_out = jax.random.uniform(ks[9], (NUM_CLASSES,), minval=-s, maxval=s, dtype=jnp.float32)
    return {"features": features, "edge_index": edge_index, "edge_type": edge_type,
            "edge_matrix": edge_matrix, "W_ih": W_ih, "W_hh": W_hh, "b_ih": b_ih,
            "b_hh": b_hh, "W_out": W_out, "b_out": b_out}


def reference(features, edge_index, edge_type, edge_matrix, W_ih, W_hh, b_ih, b_hh, W_out, b_out):
    src = edge_index[0]
    dst = edge_index[1]
    # message: A_e @ h_src  (per-edge-type matrix gathered from embedding)
    A = jnp.take(edge_matrix, edge_type, axis=0).reshape(-1, MSG, HID)
    h_src = jnp.take(features, src, axis=0)
    msg = jnp.einsum('emh,eh->em', A, h_src)
    # reduce: sum of messages into destination nodes
    m = jax.ops.segment_sum(msg, dst, num_segments=N)
    # apply: single-step GRU (torch gate order: r, z, n)
    gi = m @ W_ih.T + b_ih
    gh = features @ W_hh.T + b_hh
    i_r, i_z, i_n = jnp.split(gi, 3, axis=1)
    h_r, h_z, h_n = jnp.split(gh, 3, axis=1)
    r = jax.nn.sigmoid(i_r + h_r)
    z = jax.nn.sigmoid(i_z + h_z)
    n = jnp.tanh(i_n + r * h_n)
    h = (1.0 - z) * n + z * features
    # readout
    return h @ W_out.T + b_out

if __name__ == "__main__":
    import jax
    _d = setup_inputs()
    print(jax.jit(kernel)(*tuple(_d.values())))

</pallas_src>

<mosaic_0001>
#map = affine_map<(d0, d1) -> (0, 0)>
#map1 = affine_map<(d0, d1) -> (0, 0, 0)>
module attributes {stable_mosaic.version = 14 : i64} {
  func.func @body(%arg0: i32, %arg1: i32, %arg2: memref<800000x16xf32, #tpu.memory_space<hbm>>, %arg3: memref<32x196x128xi32, #tpu.memory_space<hbm>>, %arg4: memref<32x196x128xi32, #tpu.memory_space<hbm>>, %arg5: memref<32x196x128xi32, #tpu.memory_space<hbm>>, %arg6: memref<2x50048x16xf32, #tpu.memory_space<hbm>>, %arg7: memref<196x128xi32, #tpu.memory_space<vmem>>, %arg8: memref<196x128xi32, #tpu.memory_space<vmem>>, %arg9: memref<8x128x16xf32, #tpu.memory_space<vmem>>, %arg10: memref<50048x16xf32, #tpu.memory_space<vmem_shared>>, %arg11: memref<!tpu.dma_semaphore, #tpu.memory_space<semaphore_mem>>, %arg12: memref<!tpu.dma_semaphore, #tpu.memory_space<semaphore_mem>>, %arg13: memref<!tpu.dma_semaphore, #tpu.memory_space<semaphore_mem>>, %arg14: memref<!tpu.dma_semaphore, #tpu.memory_space<semaphore_mem>>, %arg15: memref<!tpu.dma_semaphore, #tpu.memory_space<semaphore_mem>>, %arg16: memref<!tpu.dma_semaphore, #tpu.memory_space<semaphore_mem>>, %arg17: memref<!tpu.dma_semaphore, #tpu.memory_space<semaphore_mem>>, %arg18: memref<!tpu.dma_semaphore, #tpu.memory_space<semaphore_mem>>) attributes {dimension_semantics = [#tpu.dimension_semantics<core_parallel>, #tpu.dimension_semantics<subcore_parallel>], iteration_bounds = array<i64: 2, 16>, scalar_prefetch = 0 : i64, scratch_operands = 12 : i64, tpu.core_type = #tpu.core_type<sc_vector_subcore>, window_params = [{transform_indices = #map}, {transform_indices = #map1}, {transform_indices = #map1}, {transform_indices = #map1}, {transform_indices = #map1}]} {
    %mul3A = arith.constant 2 : i32
    %mul3A_0 = arith.muli %arg1, %mul3A : i32
    %add3A = arith.addi %mul3A_0, %arg0 : i32
    %broadcast_in_dim3A = arith.constant 0.000000e+00 : f32
    %broadcast_in_dim3A_1 = vector.broadcast %broadcast_in_dim3A : f32 to vector<16xf32>
    %scan3A = arith.constant 0 : i32
    %scan3A_2 = arith.constant 0 : i32
    %scan3A_3 = arith.constant 128 : i32
    %scan3A_4 = arith.addi %scan3A_2, %scan3A_3 : i32
    %scan3A_5 = arith.constant 1 : i32
    scf.for %scan3A_132 = %scan3A_2 to %scan3A_4 step %scan3A_5  : i32 {
      %swap3A = arith.constant 0 : i32
      %swap3A_133 = arith.index_cast %swap3A : i32 to index
      %swap3A_134 = arith.index_cast %scan3A_132 : i32 to index
      %swap3A_135 = arith.constant 0 : index
      %swap3A_136 = tpu.vector_load %arg9[%swap3A_133, %swap3A_134, %swap3A_135] {strides = array<i32>} : memref<8x128x16xf32, #tpu.memory_space<vmem>>, vector<1x1x16xf32>,
      %swap3A_137 = vector.shape_cast %swap3A_136 : vector<1x1x16xf32> to vector<16xf32>
      %swap3A_138 = vector.shape_cast %broadcast_in_dim3A_1 : vector<16xf32> to vector<1x1x16xf32>
      tpu.vector_store %arg9[%swap3A_133, %swap3A_134, %swap3A_135], %swap3A_138 {strides = array<i32>} : memref<8x128x16xf32, #tpu.memory_space<vmem>>, vector<1x1x16xf32>,
    }
    %scan3A_6 = arith.constant 128 : i32
    %mul3A_7 = arith.constant 3128 : i32
    %mul3A_8 = arith.muli %arg1, %mul3A_7 : i32
    %scan3A_9 = arith.constant 0 : i32
    %scan3A_10 = arith.constant 0 : i32
    %scan3A_11 = arith.constant 24 : i32
    %scan3A_12 = arith.addi %scan3A_10, %scan3A_11 : i32
    %scan3A_13 = arith.constant 1 : i32
    scf.for %scan3A_132 = %scan3A_10 to %scan3A_12 step %scan3A_13  : i32 {
      %mul3A_133 = arith.constant 128 : i32
      %mul3A_134 = arith.muli %scan3A_132, %mul3A_133 : i32
      %add3A_135 = arith.addi %mul3A_8, %mul3A_134 : i32
      %run_scoped3A_136 = arith.constant 0 : i32
      "tpu.region"() ({
        %run_scoped3A_137 = tpu.sem_alloc : memref<!tpu.dma_semaphore, #tpu.memory_space<semaphore_mem>>
        %dma_start3A_138 = arith.constant 0 : i32
        %dma_start3A_139 = arith.constant 0 : i32
        %dma_start3A_140 = tpu.memref_slice %arg9[%run_scoped3A_136, %dma_start3A_138, %dma_start3A_139] : memref<8x128x16xf32, #tpu.memory_space<vmem>> -> memref<1x128x16xf32, #tpu.memory_space<vmem>>
        %dma_start3A_141 = tpu.memref_squeeze %dma_start3A_140 : memref<1x128x16xf32, #tpu.memory_space<vmem>> -> memref<128x16xf32, #tpu.memory_space<vmem>>
        %dma_start3A_142 = arith.constant 0 : i32
        %dma_start3A_143 = tpu.memref_slice %arg10[%add3A_135, %dma_start3A_142] : memref<50048x16xf32, #tpu.memory_space<vmem_shared>> -> memref<128x16xf32, #tpu.memory_space<vmem_shared>>
        %dma_start3A_144 = arith.constant 0 : i32
        %dma_start3A_145 = tpu.memref_slice %arg10[%add3A_135, %dma_start3A_144] : memref<50048x16xf32, #tpu.memory_space<vmem_shared>> -> memref<128x16xf32, #tpu.memory_space<vmem_shared>>
        %dma_start3A_146 = arith.constant 0 : i32
        %dma_start3A_147 = arith.constant 0 : i32
        %dma_start3A_148 = tpu.memref_slice %arg9[%run_scoped3A_136, %dma_start3A_146, %dma_start3A_147] : memref<8x128x16xf32, #tpu.memory_space<vmem>> -> memref<1x128x16xf32, #tpu.memory_space<vmem>>
        %dma_start3A_149 = tpu.memref_squeeze %dma_start3A_148 : memref<1x128x16xf32, #tpu.memory_space<vmem>> -> memref<128x16xf32, #tpu.memory_space<vmem>>
        tpu.enqueue_dma source(%dma_start3A_149 : memref<128x16xf32, #tpu.memory_space<vmem>>) target(%dma_start3A_145 : memref<128x16xf32, #tpu.memory_space<vmem_shared>>) target_semaphore(%run_scoped3A_137 : memref<!tpu.dma_semaphore, #tpu.memory_space<semaphore_mem>>)
        %dma_wait3A_150 = arith.constant 0 : i32
        %dma_wait3A_151 = arith.constant 0 : i32
        %dma_wait3A_152 = tpu.memref_slice %arg9[%run_scoped3A_136, %dma_wait3A_150, %dma_wait3A_151] : memref<8x128x16xf32, #tpu.memory_space<vmem>> -> memref<1x128x16xf32, #tpu.memory_space<vmem>>
        %dma_wait3A_153 = tpu.memref_squeeze %dma_wait3A_152 : memref<1x128x16xf32, #tpu.memory_space<vmem>> -> memref<128x16xf32, #tpu.memory_space<vmem>>
        %dma_wait3A_154 = arith.constant 0 : i32
        %dma_wait3A_155 = tpu.memref_slice %arg10[%add3A_135, %dma_wait3A_154] : memref<50048x16xf32, #tpu.memory_space<vmem_shared>> -> memref<128x16xf32, #tpu.memory_space<vmem_shared>>
        %dma_wait3A_156 = arith.constant 0 : i32
        %dma_wait3A_157 = tpu.memref_slice %arg10[%add3A_135, %dma_wait3A_156] : memref<50048x16xf32, #tpu.memory_space<vmem_shared>> -> memref<128x16xf32, #tpu.memory_space<vmem_shared>>
        %dma_wait3A_158 = arith.constant 0 : i32
        %dma_wait3A_159 = arith.constant 0 : i32
        %dma_wait3A_160 = tpu.memref_slice %arg9[%run_scoped3A_136, %dma_wait3A_158, %dma_wait3A_159] : memref<8x128x16xf32, #tpu.memory_space<vmem>> -> memref<1x128x16xf32, #tpu.memory_space<vmem>>
        %dma_wait3A_161 = tpu.memref_squeeze %dma_wait3A_160 : memref<1x128x16xf32, #tpu.memory_space<vmem>> -> memref<128x16xf32, #tpu.memory_space<vmem>>
        tpu.wait_dma2 semaphore(%run_scoped3A_137 : memref<!tpu.dma_semaphore, #tpu.memory_space<semaphore_mem>>) src(%dma_wait3A_161 : memref<128x16xf32, #tpu.memory_space<vmem>>) dst(%dma_wait3A_157 : memref<128x16xf32, #tpu.memory_space<vmem_shared>>)
        tpu.yield
      }) : () -> ()
    }
    %scan3A_14 = arith.constant 24 : i32
    %add3A_15 = arith.constant 3072 : i32
    %add3A_16 = arith.addi %mul3A_8, %add3A_15 : i32
    %run_scoped3A = arith.constant 0 : i32
    "tpu.region"() ({
      %run_scoped3A_132 = tpu.sem_alloc : memref<!tpu.dma_semaphore, #tpu.memory_space<semaphore_mem>>
      %dma_start3A_133 = arith.constant 0 : i32
      %dma_start3A_134 = arith.constant 0 : i32
      %dma_start3A_135 = tpu.memref_slice %arg9[%run_scoped3A, %dma_start3A_133, %dma_start3A_134] : memref<8x128x16xf32, #tpu.memory_space<vmem>> -> memref<1x56x16xf32, #tpu.memory_space<vmem>>
      %dma_start3A_136 = tpu.memref_squeeze %dma_start3A_135 : memref<1x56x16xf32, #tpu.memory_space<vmem>> -> memref<56x16xf32, #tpu.memory_space<vmem>>
      %dma_start3A_137 = arith.constant 0 : i32
      %dma_start3A_138 = tpu.memref_slice %arg10[%add3A_16, %dma_start3A_137] : memref<50048x16xf32, #tpu.memory_space<vmem_shared>> -> memref<56x16xf32, #tpu.memory_space<vmem_shared>>
      %dma_start3A_139 = arith.constant 0 : i32
      %dma_start3A_140 = tpu.memref_slice %arg10[%add3A_16, %dma_start3A_139] : memref<50048x16xf32, #tpu.memory_space<vmem_shared>> -> memref<56x16xf32, #tpu.memory_space<vmem_shared>>
      %dma_start3A_141 = arith.constant 0 : i32
      %dma_start3A_142 = arith.constant 0 : i32
      %dma_start3A_143 = tpu.memref_slice %arg9[%run_scoped3A, %dma_start3A_141, %dma_start3A_142] : memref<8x128x16xf32, #tpu.memory_space<vmem>> -> memref<1x56x16xf32, #tpu.memory_space<vmem>>
      %dma_start3A_144 = tpu.memref_squeeze %dma_start3A_143 : memref<1x56x16xf32, #tpu.memory_space<vmem>> -> memref<56x16xf32, #tpu.memory_space<vmem>>
      tpu.enqueue_dma source(%dma_start3A_144 : memref<56x16xf32, #tpu.memory_space<vmem>>) target(%dma_start3A_140 : memref<56x16xf32, #tpu.memory_space<vmem_shared>>) target_semaphore(%run_scoped3A_132 : memref<!tpu.dma_semaphore, #tpu.memory_space<semaphore_mem>>)
      %dma_wait3A_145 = arith.constant 0 : i32
      %dma_wait3A_146 = arith.constant 0 : i32
      %dma_wait3A_147 = tpu.memref_slice %arg9[%run_scoped3A, %dma_wait3A_145, %dma_wait3A_146] : memref<8x128x16xf32, #tpu.memory_space<vmem>> -> memref<1x56x16xf32, #tpu.memory_space<vmem>>
      %dma_wait3A_148 = tpu.memref_squeeze %dma_wait3A_147 : memref<1x56x16xf32, #tpu.memory_space<vmem>> -> memref<56x16xf32, #tpu.memory_space<vmem>>
      %dma_wait3A_149 = arith.constant 0 : i32
      %dma_wait3A_150 = tpu.memref_slice %arg10[%add3A_16, %dma_wait3A_149] : memref<50048x16xf32, #tpu.memory_space<vmem_shared>> -> memref<56x16xf32, #tpu.memory_space<vmem_shared>>
      %dma_wait3A_151 = arith.constant 0 : i32
      %dma_wait3A_152 = tpu.memref_slice %arg10[%add3A_16, %dma_wait3A_151] : memref<50048x16xf32, #tpu.memory_space<vmem_shared>> -> memref<56x16xf32, #tpu.memory_space<vmem_shared>>
      %dma_wait3A_153 = arith.constant 0 : i32
      %dma_wait3A_154 = arith.constant 0 : i32
      %dma_wait3A_155 = tpu.memref_slice %arg9[%run_scoped3A, %dma_wait3A_153, %dma_wait3A_154] : memref<8x128x16xf32, #tpu.memory_space<vmem>> -> memref<1x56x16xf32, #tpu.memory_space<vmem>>
      %dma_wait3A_156 = tpu.memref_squeeze %dma_wait3A_155 : memref<1x56x16xf32, #tpu.memory_space<vmem>> -> memref<56x16xf32, #tpu.memory_space<vmem>>
      tpu.wait_dma2 semaphore(%run_scoped3A_132 : memref<!tpu.dma_semaphore, #tpu.memory_space<semaphore_mem>>) src(%dma_wait3A_156 : memref<56x16xf32, #tpu.memory_space<vmem>>) dst(%dma_wait3A_152 : memref<56x16xf32, #tpu.memory_space<vmem_shared>>)
      tpu.yield
    }) : () -> ()
    %barrier3A = arith.constant 0 : index
    tpu.barrier barrier_id(%barrier3A)
    "tpu.region"() ({
      %run_scoped3A_132 = tpu.sem_alloc : memref<!tpu.dma_semaphore, #tpu.memory_space<semaphore_mem>>
      %dma_start3A_133 = arith.constant 0 : i32
      %dma_start3A_134 = arith.constant 0 : i32
      %dma_start3A_135 = tpu.memref_slice %arg3[%add3A, %dma_start3A_133, %dma_start3A_134] : memref<32x196x128xi32, #tpu.memory_space<hbm>> -> memref<1x196x128xi32, #tpu.memory_space<hbm>>
      %dma_start3A_136 = tpu.memref_squeeze %dma_start3A_135 : memref<1x196x128xi32, #tpu.memory_space<hbm>> -> memref<196x128xi32, #tpu.memory_space<hbm>>
      %dma_start3A_137 = arith.constant 0 : i32
      %dma_start3A_138 = arith.constant 0 : i32
      %dma_start3A_139 = tpu.memref_slice %arg3[%add3A, %dma_start3A_137, %dma_start3A_138] : memref<32x196x128xi32, #tpu.memory_space<hbm>> -> memref<1x196x128xi32, #tpu.memory_space<hbm>>
      %dma_start3A_140 = tpu.memref_squeeze %dma_start3A_139 : memref<1x196x128xi32, #tpu.memory_space<hbm>> -> memref<196x128xi32, #tpu.memory_space<hbm>>
      tpu.enqueue_dma source(%dma_start3A_140 : memref<196x128xi32, #tpu.memory_space<hbm>>) target(%arg7 : memref<196x128xi32, #tpu.memory_space<vmem>>) target_semaphore(%run_scoped3A_132 : memref<!tpu.dma_semaphore, #tpu.memory_space<semaphore_mem>>)
      %dma_wait3A_141 = arith.constant 0 : i32
      %dma_wait3A_142 = arith.constant 0 : i32
      %dma_wait3A_143 = tpu.memref_slice %arg3[%add3A, %dma_wait3A_141, %dma_wait3A_142] : memref<32x196x128xi32, #tpu.memory_space<hbm>> -> memref<1x196x128xi32, #tpu.memory_space<hbm>>
      %dma_wait3A_144 = tpu.memref_squeeze %dma_wait3A_143 : memref<1x196x128xi32, #tpu.memory_space<hbm>> -> memref<196x128xi32, #tpu.memory_space<hbm>>
      %dma_wait3A_145 = arith.constant 0 : i32
      %dma_wait3A_146 = arith.constant 0 : i32
      %dma_wait3A_147 = tpu.memref_slice %arg3[%add3A, %dma_wait3A_145, %dma_wait3A_146] : memref<32x196x128xi32, #tpu.memory_space<hbm>> -> memref<1x196x128xi32, #tpu.memory_space<hbm>>
      %dma_wait3A_148 = tpu.memref_squeeze %dma_wait3A_147 : memref<1x196x128xi32, #tpu.memory_space<hbm>> -> memref<196x128xi32, #tpu.memory_space<hbm>>
      tpu.wait_dma2 semaphore(%run_scoped3A_132 : memref<!tpu.dma_semaphore, #tpu.memory_space<semaphore_mem>>) src(%dma_wait3A_148 : memref<196x128xi32, #tpu.memory_space<hbm>>) dst(%arg7 : memref<196x128xi32, #tpu.memory_space<vmem>>)
      tpu.yield
    }) : () -> ()
    "tpu.region"() ({
      %run_scoped3A_132 = tpu.sem_alloc : memref<!tpu.dma_semaphore, #tpu.memory_space<semaphore_mem>>
      %dma_start3A_133 = arith.constant 0 : i32
      %dma_start3A_134 = arith.constant 0 : i32
      %dma_start3A_135 = tpu.memref_slice %arg4[%add3A, %dma_start3A_133, %dma_start3A_134] : memref<32x196x128xi32, #tpu.memory_space<hbm>> -> memref<1x196x128xi32, #tpu.memory_space<hbm>>
      %dma_start3A_136 = tpu.memref_squeeze %dma_start3A_135 : memref<1x196x128xi32, #tpu.memory_space<hbm>> -> memref<196x128xi32, #tpu.memory_space<hbm>>
      %dma_start3A_137 = arith.constant 0 : i32
      %dma_start3A_138 = arith.constant 0 : i32
      %dma_start3A_139 = tpu.memref_slice %arg4[%add3A, %dma_start3A_137, %dma_start3A_138] : memref<32x196x128xi32, #tpu.memory_space<hbm>> -> memref<1x196x128xi32, #tpu.memory_space<hbm>>
      %dma_start3A_140 = tpu.memref_squeeze %dma_start3A_139 : memref<1x196x128xi32, #tpu.memory_space<hbm>> -> memref<196x128xi32, #tpu.memory_space<hbm>>
      tpu.enqueue_dma source(%dma_start3A_140 : memref<196x128xi32, #tpu.memory_space<hbm>>) target(%arg8 : memref<196x128xi32, #tpu.memory_space<vmem>>) target_semaphore(%run_scoped3A_132 : memref<!tpu.dma_semaphore, #tpu.memory_space<semaphore_mem>>)
      %dma_wait3A_141 = arith.constant 0 : i32
      %dma_wait3A_142 = arith.constant 0 : i32
      %dma_wait3A_143 = tpu.memref_slice %arg4[%add3A, %dma_wait3A_141, %dma_wait3A_142] : memref<32x196x128xi32, #tpu.memory_space<hbm>> -> memref<1x196x128xi32, #tpu.memory_space<hbm>>
      %dma_wait3A_144 = tpu.memref_squeeze %dma_wait3A_143 : memref<1x196x128xi32, #tpu.memory_space<hbm>> -> memref<196x128xi32, #tpu.memory_space<hbm>>
      %dma_wait3A_145 = arith.constant 0 : i32
      %dma_wait3A_146 = arith.constant 0 : i32
      %dma_wait3A_147 = tpu.memref_slice %arg4[%add3A, %dma_wait3A_145, %dma_wait3A_146] : memref<32x196x128xi32, #tpu.memory_space<hbm>> -> memref<1x196x128xi32, #tpu.memory_space<hbm>>
      %dma_wait3A_148 = tpu.memref_squeeze %dma_wait3A_147 : memref<1x196x128xi32, #tpu.memory_space<hbm>> -> memref<196x128xi32, #tpu.memory_space<hbm>>
      tpu.wait_dma2 semaphore(%run_scoped3A_132 : memref<!tpu.dma_semaphore, #tpu.memory_space<semaphore_mem>>) src(%dma_wait3A_148 : memref<196x128xi32, #tpu.memory_space<hbm>>) dst(%arg8 : memref<196x128xi32, #tpu.memory_space<vmem>>)
      tpu.yield
    }) : () -> ()
    %scan3A_17 = arith.constant 0 : i32
    %scan3A_18 = arith.constant 0 : i32
    %scan3A_19 = arith.constant 196 : i32
    %scan3A_20 = arith.addi %scan3A_18, %scan3A_19 : i32
    %scan3A_21 = arith.constant 1 : i32
    scf.for %scan3A_132 = %scan3A_18 to %scan3A_20 step %scan3A_21  : i32 {
      %get3A = arith.index_cast %scan3A_132 : i32 to index
      %get3A_133 = arith.constant 0 : index
      %get3A_134 = tpu.vector_load %arg7[%get3A, %get3A_133] {strides = array<i32>} : memref<196x128xi32, #tpu.memory_space<vmem>>, vector<1x16xi32>,
      %get3A_135 = vector.shape_cast %get3A_134 : vector<1x16xi32> to vector<16xi32>
      %get3A_136 = arith.index_cast %scan3A_132 : i32 to index
      %get3A_137 = arith.constant 0 : index
      %get3A_138 = tpu.vector_load %arg8[%get3A_136, %get3A_137] {strides = array<i32>} : memref<196x128xi32, #tpu.memory_space<vmem>>, vector<1x16xi32>,
      %get3A_139 = vector.shape_cast %get3A_138 : vector<1x16xi32> to vector<16xi32>
      %mul3A_140 = arith.constant 16 : i32
      %mul3A_141 = vector.broadcast %mul3A_140 : i32 to vector<16xi32>
      %mul3A_142 = arith.muli %get3A_135, %mul3A_141 : vector<16xi32>
      %add3A_143 = arith.addi %mul3A_142, %get3A_139 : vector<16xi32>
      %swap3A = arith.index_cast %scan3A_132 : i32 to index
      %swap3A_144 = arith.constant 0 : index
      %swap3A_145 = tpu.vector_load %arg7[%swap3A, %swap3A_144] {strides = array<i32>} : memref<196x128xi32, #tpu.memory_space<vmem>>, vector<1x16xi32>,
      %swap3A_146 = vector.shape_cast %swap3A_145 : vector<1x16xi32> to vector<16xi32>
      %swap3A_147 = vector.shape_cast %add3A_143 : vector<16xi32> to vector<1x16xi32>
      tpu.vector_store %arg7[%swap3A, %swap3A_144], %swap3A_147 {strides = array<i32>} : memref<196x128xi32, #tpu.memory_space<vmem>>, vector<1x16xi32>,
      %get3A_148 = arith.index_cast %scan3A_132 : i32 to index
      %get3A_149 = arith.constant 16 : index
      %get3A_150 = tpu.vector_load %arg7[%get3A_148, %get3A_149] {strides = array<i32>} : memref<196x128xi32, #tpu.memory_space<vmem>>, vector<1x16xi32>,
      %get3A_151 = vector.shape_cast %get3A_150 : vector<1x16xi32> to vector<16xi32>
      %get3A_152 = arith.index_cast %scan3A_132 : i32 to index
      %get3A_153 = arith.constant 16 : index
      %get3A_154 = tpu.vector_load %arg8[%get3A_152, %get3A_153] {strides = array<i32>} : memref<196x128xi32, #tpu.memory_space<vmem>>, vector<1x16xi32>,
      %get3A_155 = vector.shape_cast %get3A_154 : vector<1x16xi32> to vector<16xi32>
      %mul3A_156 = arith.constant 16 : i32
      %mul3A_157 = vector.broadcast %mul3A_156 : i32 to vector<16xi32>
      %mul3A_158 = arith.muli %get3A_151, %mul3A_157 : vector<16xi32>
      %add3A_159 = arith.addi %mul3A_158, %get3A_155 : vector<16xi32>
      %swap3A_160 = arith.index_cast %scan3A_132 : i32 to index
      %swap3A_161 = arith.constant 16 : index
      %swap3A_162 = tpu.vector_load %arg7[%swap3A_160, %swap3A_161] {strides = array<i32>} : memref<196x128xi32, #tpu.memory_space<vmem>>, vector<1x16xi32>,
      %swap3A_163 = vector.shape_cast %swap3A_162 : vector<1x16xi32> to vector<16xi32>
      %swap3A_164 = vector.shape_cast %add3A_159 : vector<16xi32> to vector<1x16xi32>
      tpu.vector_store %arg7[%swap3A_160, %swap3A_161], %swap3A_164 {strides = array<i32>} : memref<196x128xi32, #tpu.memory_space<vmem>>, vector<1x16xi32>,
      %get3A_165 = arith.index_cast %scan3A_132 : i32 to index
      %get3A_166 = arith.constant 32 : index
      %get3A_167 = tpu.vector_load %arg7[%get3A_165, %get3A_166] {strides = array<i32>} : memref<196x128xi32, #tpu.memory_space<vmem>>, vector<1x16xi32>,
      %get3A_168 = vector.shape_cast %get3A_167 : vector<1x16xi32> to vector<16xi32>
      %get3A_169 = arith.index_cast %scan3A_132 : i32 to index
      %get3A_170 = arith.constant 32 : index
      %get3A_171 = tpu.vector_load %arg8[%get3A_169, %get3A_170] {strides = array<i32>} : memref<196x128xi32, #tpu.memory_space<vmem>>, vector<1x16xi32>,
      %get3A_172 = vector.shape_cast %get3A_171 : vector<1x16xi32> to vector<16xi32>
      %mul3A_173 = arith.constant 16 : i32
      %mul3A_174 = vector.broadcast %mul3A_173 : i32 to vector<16xi32>
      %mul3A_175 = arith.muli %get3A_168, %mul3A_174 : vector<16xi32>
      %add3A_176 = arith.addi %mul3A_175, %get3A_172 : vector<16xi32>
      %swap3A_177 = arith.index_cast %scan3A_132 : i32 to index
      %swap3A_178 = arith.constant 32 : index
      %swap3A_179 = tpu.vector_load %arg7[%swap3A_177, %swap3A_178] {strides = array<i32>} : memref<196x128xi32, #tpu.memory_space<vmem>>, vector<1x16xi32>,
      %swap3A_180 = vector.shape_cast %swap3A_179 : vector<1x16xi32> to vector<16xi32>
      %swap3A_181 = vector.shape_cast %add3A_176 : vector<16xi32> to vector<1x16xi32>
      tpu.vector_store %arg7[%swap3A_177, %swap3A_178], %swap3A_181 {strides = array<i32>} : memref<196x128xi32, #tpu.memory_space<vmem>>, vector<1x16xi32>,
      %get3A_182 = arith.index_cast %scan3A_132 : i32 to index
      %get3A_183 = arith.constant 48 : index
      %get3A_184 = tpu.vector_load %arg7[%get3A_182, %get3A_183] {strides = array<i32>} : memref<196x128xi32, #tpu.memory_space<vmem>>, vector<1x16xi32>,
      %get3A_185 = vector.shape_cast %get3A_184 : vector<1x16xi32> to vector<16xi32>
      %get3A_186 = arith.index_cast %scan3A_132 : i32 to index
      %get3A_187 = arith.constant 48 : index
      %get3A_188 = tpu.vector_load %arg8[%get3A_186, %get3A_187] {strides = array<i32>} : memref<196x128xi32, #tpu.memory_space<vmem>>, vector<1x16xi32>,
      %get3A_189 = vector.shape_cast %get3A_188 : vector<1x16xi32> to vector<16xi32>
      %mul3A_190 = arith.constant 16 : i32
      %mul3A_191 = vector.broadcast %mul3A_190 : i32 to vector<16xi32>
      %mul3A_192 = arith.muli %get3A_185, %mul3A_191 : vector<16xi32>
      %add3A_193 = arith.addi %mul3A_192, %get3A_189 : vector<16xi32>
      %swap3A_194 = arith.index_cast %scan3A_132 : i32 to index
      %swap3A_195 = arith.constant 48 : index
      %swap3A_196 = tpu.vector_load %arg7[%swap3A_194, %swap3A_195] {strides = array<i32>} : memref<196x128xi32, #tpu.memory_space<vmem>>, vector<1x16xi32>,
      %swap3A_197 = vector.shape_cast %swap3A_196 : vector<1x16xi32> to vector<16xi32>
      %swap3A_198 = vector.shape_cast %add3A_193 : vector<16xi32> to vector<1x16xi32>
      tpu.vector_store %arg7[%swap3A_194, %swap3A_195], %swap3A_198 {strides = array<i32>} : memref<196x128xi32, #tpu.memory_space<vmem>>, vector<1x16xi32>,
      %get3A_199 = arith.index_cast %scan3A_132 : i32 to index
      %get3A_200 = arith.constant 64 : index
      %get3A_201 = tpu.vector_load %arg7[%get3A_199, %get3A_200] {strides = array<i32>} : memref<196x128xi32, #tpu.memory_space<vmem>>, vector<1x16xi32>,
      %get3A_202 = vector.shape_cast %get3A_201 : vector<1x16xi32> to vector<16xi32>
      %get3A_203 = arith.index_cast %scan3A_132 : i32 to index
      %get3A_204 = arith.constant 64 : index
      %get3A_205 = tpu.vector_load %arg8[%get3A_203, %get3A_204] {strides = array<i32>} : memref<196x128xi32, #tpu.memory_space<vmem>>, vector<1x16xi32>,
      %get3A_206 = vector.shape_cast %get3A_205 : vector<1x16xi32> to vector<16xi32>
      %mul3A_207 = arith.constant 16 : i32
      %mul3A_208 = vector.broadcast %mul3A_207 : i32 to vector<16xi32>
      %mul3A_209 = arith.muli %get3A_202, %mul3A_208 : vector<16xi32>
      %add3A_210 = arith.addi %mul3A_209, %get3A_206 : vector<16xi32>
      %swap3A_211 = arith.index_cast %scan3A_132 : i32 to index
      %swap3A_212 = arith.constant 64 : index
      %swap3A_213 = tpu.vector_load %arg7[%swap3A_211, %swap3A_212] {strides = array<i32>} : memref<196x128xi32, #tpu.memory_space<vmem>>, vector<1x16xi32>,
      %swap3A_214 = vector.shape_cast %swap3A_213 : vector<1x16xi32> to vector<16xi32>
      %swap3A_215 = vector.shape_cast %add3A_210 : vector<16xi32> to vector<1x16xi32>
      tpu.vector_store %arg7[%swap3A_211, %swap3A_212], %swap3A_215 {strides = array<i32>} : memref<196x128xi32, #tpu.memory_space<vmem>>, vector<1x16xi32>,
      %get3A_216 = arith.index_cast %scan3A_132 : i32 to index
      %get3A_217 = arith.constant 80 : index
      %get3A_218 = tpu.vector_load %arg7[%get3A_216, %get3A_217] {strides = array<i32>} : memref<196x128xi32, #tpu.memory_space<vmem>>, vector<1x16xi32>,
      %get3A_219 = vector.shape_cast %get3A_218 : vector<1x16xi32> to vector<16xi32>
      %get3A_220 = arith.index_cast %scan3A_132 : i32 to index
      %get3A_221 = arith.constant 80 : index
      %get3A_222 = tpu.vector_load %arg8[%get3A_220, %get3A_221] {strides = array<i32>} : memref<196x128xi32, #tpu.memory_space<vmem>>, vector<1x16xi32>,
      %get3A_223 = vector.shape_cast %get3A_222 : vector<1x16xi32> to vector<16xi32>
      %mul3A_224 = arith.constant 16 : i32
      %mul3A_225 = vector.broadcast %mul3A_224 : i32 to vector<16xi32>
      %mul3A_226 = arith.muli %get3A_219, %mul3A_225 : vector<16xi32>
      %add3A_227 = arith.addi %mul3A_226, %get3A_223 : vector<16xi32>
      %swap3A_228 = arith.index_cast %scan3A_132 : i32 to index
      %swap3A_229 = arith.constant 80 : index
      %swap3A_230 = tpu.vector_load %arg7[%swap3A_228, %swap3A_229] {strides = array<i32>} : memref<196x128xi32, #tpu.memory_space<vmem>>, vector<1x16xi32>,
      %swap3A_231 = vector.shape_cast %swap3A_230 : vector<1x16xi32> to vector<16xi32>
      %swap3A_232 = vector.shape_cast %add3A_227 : vector<16xi32> to vector<1x16xi32>
      tpu.vector_store %arg7[%swap3A_228, %swap3A_229], %swap3A_232 {strides = array<i32>} : memref<196x128xi32, #tpu.memory_space<vmem>>, vector<1x16xi32>,
      %get3A_233 = arith.index_cast %scan3A_132 : i32 to index
      %get3A_234 = arith.constant 96 : index
      %get3A_235 = tpu.vector_load %arg7[%get3A_233, %get3A_234] {strides = array<i32>} : memref<196x128xi32, #tpu.memory_space<vmem>>, vector<1x16xi32>,
      %get3A_236 = vector.shape_cast %get3A_235 : vector<1x16xi32> to vector<16xi32>
      %get3A_237 = arith.index_cast %scan3A_132 : i32 to index
      %get3A_238 = arith.constant 96 : index
      %get3A_239 = tpu.vector_load %arg8[%get3A_237, %get3A_238] {strides = array<i32>} : memref<196x128xi32, #tpu.memory_space<vmem>>, vector<1x16xi32>,
      %get3A_240 = vector.shape_cast %get3A_239 : vector<1x16xi32> to vector<16xi32>
      %mul3A_241 = arith.constant 16 : i32
      %mul3A_242 = vector.broadcast %mul3A_241 : i32 to vector<16xi32>
      %mul3A_243 = arith.muli %get3A_236, %mul3A_242 : vector<16xi32>
      %add3A_244 = arith.addi %mul3A_243, %get3A_240 : vector<16xi32>
      %swap3A_245 = arith.index_cast %scan3A_132 : i32 to index
      %swap3A_246 = arith.constant 96 : index
      %swap3A_247 = tpu.vector_load %arg7[%swap3A_245, %swap3A_246] {strides = array<i32>} : memref<196x128xi32, #tpu.memory_space<vmem>>, vector<1x16xi32>,
      %swap3A_248 = vector.shape_cast %swap3A_247 : vector<1x16xi32> to vector<16xi32>
      %swap3A_249 = vector.shape_cast %add3A_244 : vector<16xi32> to vector<1x16xi32>
      tpu.vector_store %arg7[%swap3A_245, %swap3A_246], %swap3A_249 {strides = array<i32>} : memref<196x128xi32, #tpu.memory_space<vmem>>, vector<1x16xi32>,
      %get3A_250 = arith.index_cast %scan3A_132 : i32 to index
      %get3A_251 = arith.constant 112 : index
      %get3A_252 = tpu.vector_load %arg7[%get3A_250, %get3A_251] {strides = array<i32>} : memref<196x128xi32, #tpu.memory_space<vmem>>, vector<1x16xi32>,
      %get3A_253 = vector.shape_cast %get3A_252 : vector<1x16xi32> to vector<16xi32>
      %get3A_254 = arith.index_cast %scan3A_132 : i32 to index
      %get3A_255 = arith.constant 112 : index
      %get3A_256 = tpu.vector_load %arg8[%get3A_254, %get3A_255] {strides = array<i32>} : memref<196x128xi32, #tpu.memory_space<vmem>>, vector<1x16xi32>,
      %get3A_257 = vector.shape_cast %get3A_256 : vector<1x16xi32> to vector<16xi32>
      %mul3A_258 = arith.constant 16 : i32
      %mul3A_259 = vector.broadcast %mul3A_258 : i32 to vector<16xi32>
      %mul3A_260 = arith.muli %get3A_253, %mul3A_259 : vector<16xi32>
      %add3A_261 = arith.addi %mul3A_260, %get3A_257 : vector<16xi32>
      %swap3A_262 = arith.index_cast %scan3A_132 : i32 to index
      %swap3A_263 = arith.constant 112 : index
      %swap3A_264 = tpu.vector_load %arg7[%swap3A_262, %swap3A_263] {strides = array<i32>} : memref<196x128xi32, #tpu.memory_space<vmem>>, vector<1x16xi32>,
      %swap3A_265 = vector.shape_cast %swap3A_264 : vector<1x16xi32> to vector<16xi32>
      %swap3A_266 = vector.shape_cast %add3A_261 : vector<16xi32> to vector<1x16xi32>
      tpu.vector_store %arg7[%swap3A_262, %swap3A_263], %swap3A_266 {strides = array<i32>} : memref<196x128xi32, #tpu.memory_space<vmem>>, vector<1x16xi32>,
    }
    %scan3A_22 = arith.constant 196 : i32
    "tpu.region"() ({
      %run_scoped3A_132 = tpu.sem_alloc : memref<!tpu.dma_semaphore, #tpu.memory_space<semaphore_mem>>
      %dma_start3A_133 = arith.constant 0 : i32
      %dma_start3A_134 = arith.constant 0 : i32
      %dma_start3A_135 = tpu.memref_slice %arg5[%add3A, %dma_start3A_133, %dma_start3A_134] : memref<32x196x128xi32, #tpu.memory_space<hbm>> -> memref<1x196x128xi32, #tpu.memory_space<hbm>>
      %dma_start3A_136 = tpu.memref_squeeze %dma_start3A_135 : memref<1x196x128xi32, #tpu.memory_space<hbm>> -> memref<196x128xi32, #tpu.memory_space<hbm>>
      %dma_start3A_137 = arith.constant 0 : i32
      %dma_start3A_138 = arith.constant 0 : i32
      %dma_start3A_139 = tpu.memref_slice %arg5[%add3A, %dma_start3A_137, %dma_start3A_138] : memref<32x196x128xi32, #tpu.memory_space<hbm>> -> memref<1x196x128xi32, #tpu.memory_space<hbm>>
      %dma_start3A_140 = tpu.memref_squeeze %dma_start3A_139 : memref<1x196x128xi32, #tpu.memory_space<hbm>> -> memref<196x128xi32, #tpu.memory_space<hbm>>
      tpu.enqueue_dma source(%dma_start3A_140 : memref<196x128xi32, #tpu.memory_space<hbm>>) target(%arg8 : memref<196x128xi32, #tpu.memory_space<vmem>>) target_semaphore(%run_scoped3A_132 : memref<!tpu.dma_semaphore, #tpu.memory_space<semaphore_mem>>)
      %dma_wait3A_141 = arith.constant 0 : i32
      %dma_wait3A_142 = arith.constant 0 : i32
      %dma_wait3A_143 = tpu.memref_slice %arg5[%add3A, %dma_wait3A_141, %dma_wait3A_142] : memref<32x196x128xi32, #tpu.memory_space<hbm>> -> memref<1x196x128xi32, #tpu.memory_space<hbm>>
      %dma_wait3A_144 = tpu.memref_squeeze %dma_wait3A_143 : memref<1x196x128xi32, #tpu.memory_space<hbm>> -> memref<196x128xi32, #tpu.memory_space<hbm>>
      %dma_wait3A_145 = arith.constant 0 : i32
      %dma_wait3A_146 = arith.constant 0 : i32
      %dma_wait3A_147 = tpu.memref_slice %arg5[%add3A, %dma_wait3A_145, %dma_wait3A_146] : memref<32x196x128xi32, #tpu.memory_space<hbm>> -> memref<1x196x128xi32, #tpu.memory_space<hbm>>
      %dma_wait3A_148 = tpu.memref_squeeze %dma_wait3A_147 : memref<1x196x128xi32, #tpu.memory_space<hbm>> -> memref<196x128xi32, #tpu.memory_space<hbm>>
      tpu.wait_dma2 semaphore(%run_scoped3A_132 : memref<!tpu.dma_semaphore, #tpu.memory_space<semaphore_mem>>) src(%dma_wait3A_148 : memref<196x128xi32, #tpu.memory_space<hbm>>) dst(%arg8 : memref<196x128xi32, #tpu.memory_space<vmem>>)
      tpu.yield
    }) : () -> ()
    %scan3A_23 = arith.constant 0 : i32
    %scan3A_24 = arith.constant 0 : i32
    %scan3A_25 = arith.constant 24 : i32
    %scan3A_26 = arith.addi %scan3A_24, %scan3A_25 : i32
    %scan3A_27 = arith.constant 1 : i32
    scf.for %scan3A_132 = %scan3A_24 to %scan3A_26 step %scan3A_27  : i32 {
      %mul3A_133 = arith.constant 8 : i32
      %mul3A_134 = arith.muli %scan3A_132, %mul3A_133 : i32
      %add3A_135 = arith.constant 0 : i32
      %add3A_136 = arith.addi %mul3A_134, %add3A_135 : i32
      %dma_start3A_137 = arith.constant 0 : i32
      %dma_start3A_138 = arith.constant 0 : i32
      %dma_start3A_139 = arith.constant 0 : i32
      %dma_start3A_140 = tpu.memref_slice %arg9[%dma_start3A_137, %dma_start3A_138, %dma_start3A_139] : memref<8x128x16xf32, #tpu.memory_space<vmem>> -> memref<1x128x16xf32, #tpu.memory_space<vmem>>
      %dma_start3A_141 = tpu.memref_squeeze %dma_start3A_140 : memref<1x128x16xf32, #tpu.memory_space<vmem>> -> memref<128x16xf32, #tpu.memory_space<vmem>>
      %dma_start3A_142 = arith.constant 0 : i32
      %dma_start3A_143 = tpu.memref_slice %arg7[%add3A_136, %dma_start3A_142] : memref<196x128xi32, #tpu.memory_space<vmem>> -> memref<1x128xi32, #tpu.memory_space<vmem>>
      %dma_start3A_144 = tpu.memref_squeeze %dma_start3A_143 : memref<1x128xi32, #tpu.memory_space<vmem>> -> memref<128xi32, #tpu.memory_space<vmem>>
      %dma_start3A_145 = arith.constant 0 : i32
      %dma_start3A_146 = arith.constant 0 : i32
      %dma_start3A_147 = tpu.memref_slice %arg2[%dma_start3A_145, %dma_start3A_146] : memref<800000x16xf32, #tpu.memory_space<hbm>> -> memref<800000x16xf32, #tpu.memory_space<hbm>>
      tpu.enqueue_indirect_dma source(%dma_start3A_147 : memref<800000x16xf32, #tpu.memory_space<hbm>>) target(%dma_start3A_141 : memref<128x16xf32, #tpu.memory_space<vmem>>) offsets(%dma_start3A_144 : memref<128xi32, #tpu.memory_space<vmem>>) semaphore(%arg11 : memref<!tpu.dma_semaphore, #tpu.memory_space<semaphore_mem>>)
      %add3A_148 = arith.constant 1 : i32
      %add3A_149 = arith.addi %mul3A_134, %add3A_148 : i32
      %dma_start3A_150 = arith.constant 1 : i32
      %dma_start3A_151 = arith.constant 0 : i32
      %dma_start3A_152 = arith.constant 0 : i32
      %dma_start3A_153 = tpu.memref_slice %arg9[%dma_start3A_150, %dma_start3A_151, %dma_start3A_152] : memref<8x128x16xf32, #tpu.memory_space<vmem>> -> memref<1x128x16xf32, #tpu.memory_space<vmem>>
      %dma_start3A_154 = tpu.memref_squeeze %dma_start3A_153 : memref<1x128x16xf32, #tpu.memory_space<vmem>> -> memref<128x16xf32, #tpu.memory_space<vmem>>
      %dma_start3A_155 = arith.constant 0 : i32
      %dma_start3A_156 = tpu.memref_slice %arg7[%add3A_149, %dma_start3A_155] : memref<196x128xi32, #tpu.memory_space<vmem>> -> memref<1x128xi32, #tpu.memory_space<vmem>>
      %dma_start3A_157 = tpu.memref_squeeze %dma_start3A_156 : memref<1x128xi32, #tpu.memory_space<vmem>> -> memref<128xi32, #tpu.memory_space<vmem>>
      %dma_start3A_158 = arith.constant 0 : i32
      %dma_start3A_159 = arith.constant 0 : i32
      %dma_start3A_160 = tpu.memref_slice %arg2[%dma_start3A_158, %dma_start3A_159] : memref<800000x16xf32, #tpu.memory_space<hbm>> -> memref<800000x16xf32, #tpu.memory_space<hbm>>
      tpu.enqueue_indirect_dma source(%dma_start3A_160 : memref<800000x16xf32, #tpu.memory_space<hbm>>) target(%dma_start3A_154 : memref<128x16xf32, #tpu.memory_space<vmem>>) offsets(%dma_start3A_157 : memref<128xi32, #tpu.memory_space<vmem>>) semaphore(%arg12 : memref<!tpu.dma_semaphore, #tpu.memory_space<semaphore_mem>>)
      %add3A_161 = arith.constant 2 : i32
      %add3A_162 = arith.addi %mul3A_134, %add3A_161 : i32
      %dma_start3A_163 = arith.constant 2 : i32
      %dma_start3A_164 = arith.constant 0 : i32
      %dma_start3A_165 = arith.constant 0 : i32
      %dma_start3A_166 = tpu.memref_slice %arg9[%dma_start3A_163, %dma_start3A_164, %dma_start3A_165] : memref<8x128x16xf32, #tpu.memory_space<vmem>> -> memref<1x128x16xf32, #tpu.memory_space<vmem>>
      %dma_start3A_167 = tpu.memref_squeeze %dma_start3A_166 : memref<1x128x16xf32, #tpu.memory_space<vmem>> -> memref<128x16xf32, #tpu.memory_space<vmem>>
      %dma_start3A_168 = arith.constant 0 : i32
      %dma_start3A_169 = tpu.memref_slice %arg7[%add3A_162, %dma_start3A_168] : memref<196x128xi32, #tpu.memory_space<vmem>> -> memref<1x128xi32, #tpu.memory_space<vmem>>
      %dma_start3A_170 = tpu.memref_squeeze %dma_start3A_169 : memref<1x128xi32, #tpu.memory_space<vmem>> -> memref<128xi32, #tpu.memory_space<vmem>>
      %dma_start3A_171 = arith.constant 0 : i32
      %dma_start3A_172 = arith.constant 0 : i32
      %dma_start3A_173 = tpu.memref_slice %arg2[%dma_start3A_171, %dma_start3A_172] : memref<800000x16xf32, #tpu.memory_space<hbm>> -> memref<800000x16xf32, #tpu.memory_space<hbm>>
      tpu.enqueue_indirect_dma source(%dma_start3A_173 : memref<800000x16xf32, #tpu.memory_space<hbm>>) target(%dma_start3A_167 : memref<128x16xf32, #tpu.memory_space<vmem>>) offsets(%dma_start3A_170 : memref<128xi32, #tpu.memory_space<vmem>>) semaphore(%arg13 : memref<!tpu.dma_semaphore, #tpu.memory_space<semaphore_mem>>)
      %add3A_174 = arith.constant 3 : i32
      %add3A_175 = arith.addi %mul3A_134, %add3A_174 : i32
      %dma_start3A_176 = arith.constant 3 : i32
      %dma_start3A_177 = arith.constant 0 : i32
      %dma_start3A_178 = arith.constant 0 : i32
      %dma_start3A_179 = tpu.memref_slice %arg9[%dma_start3A_176, %dma_start3A_177, %dma_start3A_178] : memref<8x128x16xf32, #tpu.memory_space<vmem>> -> memref<1x128x16xf32, #tpu.memory_space<vmem>>
      %dma_start3A_180 = tpu.memref_squeeze %dma_start3A_179 : memref<1x128x16xf32, #tpu.memory_space<vmem>> -> memref<128x16xf32, #tpu.memory_space<vmem>>
      %dma_start3A_181 = arith.constant 0 : i32
      %dma_start3A_182 = tpu.memref_slice %arg7[%add3A_175, %dma_start3A_181] : memref<196x128xi32, #tpu.memory_space<vmem>> -> memref<1x128xi32, #tpu.memory_space<vmem>>
      %dma_start3A_183 = tpu.memref_squeeze %dma_start3A_182 : memref<1x128xi32, #tpu.memory_space<vmem>> -> memref<128xi32, #tpu.memory_space<vmem>>
      %dma_start3A_184 = arith.constant 0 : i32
      %dma_start3A_185 = arith.constant 0 : i32
      %dma_start3A_186 = tpu.memref_slice %arg2[%dma_start3A_184, %dma_start3A_185] : memref<800000x16xf32, #tpu.memory_space<hbm>> -> memref<800000x16xf32, #tpu.memory_space<hbm>>
      tpu.enqueue_indirect_dma source(%dma_start3A_186 : memref<800000x16xf32, #tpu.memory_space<hbm>>) target(%dma_start3A_180 : memref<128x16xf32, #tpu.memory_space<vmem>>) offsets(%dma_start3A_183 : memref<128xi32, #tpu.memory_space<vmem>>) semaphore(%arg14 : memref<!tpu.dma_semaphore, #tpu.memory_space<semaphore_mem>>)
      %add3A_187 = arith.constant 4 : i32
      %add3A_188 = arith.addi %mul3A_134, %add3A_187 : i32
      %dma_start3A_189 = arith.constant 4 : i32
      %dma_start3A_190 = arith.constant 0 : i32
      %dma_start3A_191 = arith.constant 0 : i32
      %dma_start3A_192 = tpu.memref_slice %arg9[%dma_start3A_189, %dma_start3A_190, %dma_start3A_191] : memref<8x128x16xf32, #tpu.memory_space<vmem>> -> memref<1x128x16xf32, #tpu.memory_space<vmem>>
      %dma_start3A_193 = tpu.memref_squeeze %dma_start3A_192 : memref<1x128x16xf32, #tpu.memory_space<vmem>> -> memref<128x16xf32, #tpu.memory_space<vmem>>
      %dma_start3A_194 = arith.constant 0 : i32
      %dma_start3A_195 = tpu.memref_slice %arg7[%add3A_188, %dma_start3A_194] : memref<196x128xi32, #tpu.memory_space<vmem>> -> memref<1x128xi32, #tpu.memory_space<vmem>>
      %dma_start3A_196 = tpu.memref_squeeze %dma_start3A_195 : memref<1x128xi32, #tpu.memory_space<vmem>> -> memref<128xi32, #tpu.memory_space<vmem>>
      %dma_start3A_197 = arith.constant 0 : i32
      %dma_start3A_198 = arith.constant 0 : i32
      %dma_start3A_199 = tpu.memref_slice %arg2[%dma_start3A_197, %dma_start3A_198] : memref<800000x16xf32, #tpu.memory_space<hbm>> -> memref<800000x16xf32, #tpu.memory_space<hbm>>
      tpu.enqueue_indirect_dma source(%dma_start3A_199 : memref<800000x16xf32, #tpu.memory_space<hbm>>) target(%dma_start3A_193 : memref<128x16xf32, #tpu.memory_space<vmem>>) offsets(%dma_start3A_196 : memref<128xi32, #tpu.memory_space<vmem>>) semaphore(%arg15 : memref<!tpu.dma_semaphore, #tpu.memory_space<semaphore_mem>>)
      %add3A_200 = arith.constant 5 : i32
      %add3A_201 = arith.addi %mul3A_134, %add3A_200 : i32
      %dma_start3A_202 = arith.constant 5 : i32
      %dma_start3A_203 = arith.constant 0 : i32
      %dma_start3A_204 = arith.constant 0 : i32
      %dma_start3A_205 = tpu.memref_slice %arg9[%dma_start3A_202, %dma_start3A_203, %dma_start3A_204] : memref<8x128x16xf32, #tpu.memory_space<vmem>> -> memref<1x128x16xf32, #tpu.memory_space<vmem>>
      %dma_start3A_206 = tpu.memref_squeeze %dma_start3A_205 : memref<1x128x16xf32, #tpu.memory_space<vmem>> -> memref<128x16xf32, #tpu.memory_space<vmem>>
      %dma_start3A_207 = arith.constant 0 : i32
      %dma_start3A_208 = tpu.memref_slice %arg7[%add3A_201, %dma_start3A_207] : memref<196x128xi32, #tpu.memory_space<vmem>> -> memref<1x128xi32, #tpu.memory_space<vmem>>
      %dma_start3A_209 = tpu.memref_squeeze %dma_start3A_208 : memref<1x128xi32, #tpu.memory_space<vmem>> -> memref<128xi32, #tpu.memory_space<vmem>>
      %dma_start3A_210 = arith.constant 0 : i32
      %dma_start3A_211 = arith.constant 0 : i32
      %dma_start3A_212 = tpu.memref_slice %arg2[%dma_start3A_210, %dma_start3A_211] : memref<800000x16xf32, #tpu.memory_space<hbm>> -> memref<800000x16xf32, #tpu.memory_space<hbm>>
      tpu.enqueue_indirect_dma source(%dma_start3A_212 : memref<800000x16xf32, #tpu.memory_space<hbm>>) target(%dma_start3A_206 : memref<128x16xf32, #tpu.memory_space<vmem>>) offsets(%dma_start3A_209 : memref<128xi32, #tpu.memory_space<vmem>>) semaphore(%arg16 : memref<!tpu.dma_semaphore, #tpu.memory_space<semaphore_mem>>)
      %add3A_213 = arith.constant 6 : i32
      %add3A_214 = arith.addi %mul3A_134, %add3A_213 : i32
      %dma_start3A_215 = arith.constant 6 : i32
      %dma_start3A_216 = arith.constant 0 : i32
      %dma_start3A_217 = arith.constant 0 : i32
      %dma_start3A_218 = tpu.memref_slice %arg9[%dma_start3A_215, %dma_start3A_216, %dma_start3A_217] : memref<8x128x16xf32, #tpu.memory_space<vmem>> -> memref<1x128x16xf32, #tpu.memory_space<vmem>>
      %dma_start3A_219 = tpu.memref_squeeze %dma_start3A_218 : memref<1x128x16xf32, #tpu.memory_space<vmem>> -> memref<128x16xf32, #tpu.memory_space<vmem>>
      %dma_start3A_220 = arith.constant 0 : i32
      %dma_start3A_221 = tpu.memref_slice %arg7[%add3A_214, %dma_start3A_220] : memref<196x128xi32, #tpu.memory_space<vmem>> -> memref<1x128xi32, #tpu.memory_space<vmem>>
      %dma_start3A_222 = tpu.memref_squeeze %dma_start3A_221 : memref<1x128xi32, #tpu.memory_space<vmem>> -> memref<128xi32, #tpu.memory_space<vmem>>
      %dma_start3A_223 = arith.constant 0 : i32
      %dma_start3A_224 = arith.constant 0 : i32
      %dma_start3A_225 = tpu.memref_slice %arg2[%dma_start3A_223, %dma_start3A_224] : memref<800000x16xf32, #tpu.memory_space<hbm>> -> memref<800000x16xf32, #tpu.memory_space<hbm>>
      tpu.enqueue_indirect_dma source(%dma_start3A_225 : memref<800000x16xf32, #tpu.memory_space<hbm>>) target(%dma_start3A_219 : memref<128x16xf32, #tpu.memory_space<vmem>>) offsets(%dma_start3A_222 : memref<128xi32, #tpu.memory_space<vmem>>) semaphore(%arg17 : memref<!tpu.dma_semaphore, #tpu.memory_space<semaphore_mem>>)
      %add3A_226 = arith.constant 7 : i32
      %add3A_227 = arith.addi %mul3A_134, %add3A_226 : i32
      %dma_start3A_228 = arith.constant 7 : i32
      %dma_start3A_229 = arith.constant 0 : i32
      %dma_start3A_230 = arith.constant 0 : i32
      %dma_start3A_231 = tpu.memref_slice %arg9[%dma_start3A_228, %dma_start3A_229, %dma_start3A_230] : memref<8x128x16xf32, #tpu.memory_space<vmem>> -> memref<1x128x16xf32, #tpu.memory_space<vmem>>
      %dma_start3A_232 = tpu.memref_squeeze %dma_start3A_231 : memref<1x128x16xf32, #tpu.memory_space<vmem>> -> memref<128x16xf32, #tpu.memory_space<vmem>>
      %dma_start3A_233 = arith.constant 0 : i32
      %dma_start3A_234 = tpu.memref_slice %arg7[%add3A_227, %dma_start3A_233] : memref<196x128xi32, #tpu.memory_space<vmem>> -> memref<1x128xi32, #tpu.memory_space<vmem>>
      %dma_start3A_235 = tpu.memref_squeeze %dma_start3A_234 : memref<1x128xi32, #tpu.memory_space<vmem>> -> memref<128xi32, #tpu.memory_space<vmem>>
      %dma_start3A_236 = arith.constant 0 : i32
      %dma_start3A_237 = arith.constant 0 : i32
      %dma_start3A_238 = tpu.memref_slice %arg2[%dma_start3A_236, %dma_start3A_237] : memref<800000x16xf32, #tpu.memory_space<hbm>> -> memref<800000x16xf32, #tpu.memory_space<hbm>>
      tpu.enqueue_indirect_dma source(%dma_start3A_238 : memref<800000x16xf32, #tpu.memory_space<hbm>>) target(%dma_start3A_232 : memref<128x16xf32, #tpu.memory_space<vmem>>) offsets(%dma_start3A_235 : memref<128xi32, #tpu.memory_space<vmem>>) semaphore(%arg18 : memref<!tpu.dma_semaphore, #tpu.memory_space<semaphore_mem>>)
      %dma_wait3A_239 = arith.constant 0 : i32
      %dma_wait3A_240 = arith.constant 0 : i32
      %dma_wait3A_241 = arith.constant 0 : i32
      %dma_wait3A_242 = tpu.memref_slice %arg9[%dma_wait3A_239, %dma_wait3A_240, %dma_wait3A_241] : memref<8x128x16xf32, #tpu.memory_space<vmem>> -> memref<1x128x16xf32, #tpu.memory_space<vmem>>
      %dma_wait3A_243 = tpu.memref_squeeze %dma_wait3A_242 : memref<1x128x16xf32, #tpu.memory_space<vmem>> -> memref<128x16xf32, #tpu.memory_space<vmem>>
      %dma_wait3A_244 = arith.constant 0 : i32
      %dma_wait3A_245 = tpu.memref_slice %arg7[%add3A_136, %dma_wait3A_244] : memref<196x128xi32, #tpu.memory_space<vmem>> -> memref<1x128xi32, #tpu.memory_space<vmem>>
      %dma_wait3A_246 = tpu.memref_squeeze %dma_wait3A_245 : memref<1x128xi32, #tpu.memory_space<vmem>> -> memref<128xi32, #tpu.memory_space<vmem>>
      %dma_wait3A_247 = arith.constant 0 : i32
      %dma_wait3A_248 = arith.constant 0 : i32
      %dma_wait3A_249 = tpu.memref_slice %arg2[%dma_wait3A_247, %dma_wait3A_248] : memref<800000x16xf32, #tpu.memory_space<hbm>> -> memref<800000x16xf32, #tpu.memory_space<hbm>>
      tpu.wait_indirect_dma semaphore(%arg11 : memref<!tpu.dma_semaphore, #tpu.memory_space<semaphore_mem>>) src(%dma_wait3A_249 : memref<800000x16xf32, #tpu.memory_space<hbm>>) dst(%dma_wait3A_243 : memref<128x16xf32, #tpu.memory_space<vmem>>)
      %add3A_250 = arith.constant 0 : i32
      %add3A_251 = arith.addi %mul3A_134, %add3A_250 : i32
      %run_scoped3A_252 = arith.constant 0 : i32
      "tpu.region"() ({
        %run_scoped3A_351 = tpu.sem_alloc : memref<!tpu.dma_semaphore, #tpu.memory_space<semaphore_mem>>
        %dma_start3A_352 = arith.constant 0 : i32
        %dma_start3A_353 = arith.constant 0 : i32
        %dma_start3A_354 = tpu.memref_slice %arg9[%run_scoped3A_252, %dma_start3A_352, %dma_start3A_353] : memref<8x128x16xf32, #tpu.memory_space<vmem>> -> memref<1x128x16xf32, #tpu.memory_space<vmem>>
        %dma_start3A_355 = tpu.memref_squeeze %dma_start3A_354 : memref<1x128x16xf32, #tpu.memory_space<vmem>> -> memref<128x16xf32, #tpu.memory_space<vmem>>
        %dma_start3A_356 = arith.constant 0 : i32
        %dma_start3A_357 = tpu.memref_slice %arg8[%add3A_251, %dma_start3A_356] : memref<196x128xi32, #tpu.memory_space<vmem>> -> memref<1x128xi32, #tpu.memory_space<vmem>>
        %dma_start3A_358 = tpu.memref_squeeze %dma_start3A_357 : memref<1x128xi32, #tpu.memory_space<vmem>> -> memref<128xi32, #tpu.memory_space<vmem>>
        %dma_start3A_359 = arith.constant 0 : i32
        %dma_start3A_360 = arith.constant 0 : i32
        %dma_start3A_361 = tpu.memref_slice %arg10[%dma_start3A_359, %dma_start3A_360] : memref<50048x16xf32, #tpu.memory_space<vmem_shared>> -> memref<50048x16xf32, #tpu.memory_space<vmem_shared>>
        tpu.enqueue_indirect_dma source(%dma_start3A_355 : memref<128x16xf32, #tpu.memory_space<vmem>>) target(%dma_start3A_361 : memref<50048x16xf32, #tpu.memory_space<vmem_shared>>) offsets(%dma_start3A_358 : memref<128xi32, #tpu.memory_space<vmem>>) semaphore(%run_scoped3A_351 : memref<!tpu.dma_semaphore, #tpu.memory_space<semaphore_mem>>) {add = true}
        %dma_wait3A_362 = arith.constant 0 : i32
        %dma_wait3A_363 = arith.constant 0 : i32
        %dma_wait3A_364 = tpu.memref_slice %arg9[%run_scoped3A_252, %dma_wait3A_362, %dma_wait3A_363] : memref<8x128x16xf32, #tpu.memory_space<vmem>> -> memref<1x128x16xf32, #tpu.memory_space<vmem>>
        %dma_wait3A_365 = tpu.memref_squeeze %dma_wait3A_364 : memref<1x128x16xf32, #tpu.memory_space<vmem>> -> memref<128x16xf32, #tpu.memory_space<vmem>>
        %dma_wait3A_366 = arith.constant 0 : i32
        %dma_wait3A_367 = tpu.memref_slice %arg8[%add3A_251, %dma_wait3A_366] : memref<196x128xi32, #tpu.memory_space<vmem>> -> memref<1x128xi32, #tpu.memory_space<vmem>>
        %dma_wait3A_368 = tpu.memref_squeeze %dma_wait3A_367 : memref<1x128xi32, #tpu.memory_space<vmem>> -> memref<128xi32, #tpu.memory_space<vmem>>
        %dma_wait3A_369 = arith.constant 0 : i32
        %dma_wait3A_370 = arith.constant 0 : i32
        %dma_wait3A_371 = tpu.memref_slice %arg10[%dma_wait3A_369, %dma_wait3A_370] : memref<50048x16xf32, #tpu.memory_space<vmem_shared>> -> memref<50048x16xf32, #tpu.memory_space<vmem_shared>>
        tpu.wait_indirect_dma semaphore(%run_scoped3A_351 : memref<!tpu.dma_semaphore, #tpu.memory_space<semaphore_mem>>) src(%dma_wait3A_365 : memref<128x16xf32, #tpu.memory_space<vmem>>) dst(%dma_wait3A_371 : memref<50048x16xf32, #tpu.memory_space<vmem_shared>>)
        tpu.yield
      }) : () -> ()
      %dma_wait3A_253 = arith.constant 1 : i32
      %dma_wait3A_254 = arith.constant 0 : i32
      %dma_wait3A_255 = arith.constant 0 : i32
      %dma_wait3A_256 = tpu.memref_slice %arg9[%dma_wait3A_253, %dma_wait3A_254, %dma_wait3A_255] : memref<8x128x16xf32, #tpu.memory_space<vmem>> -> memref<1x128x16xf32, #tpu.memory_space<vmem>>
      %dma_wait3A_257 = tpu.memref_squeeze %dma_wait3A_256 : memref<1x128x16xf32, #tpu.memory_space<vmem>> -> memref<128x16xf32, #tpu.memory_space<vmem>>
      %dma_wait3A_258 = arith.constant 0 : i32
      %dma_wait3A_259 = tpu.memref_slice %arg7[%add3A_149, %dma_wait3A_258] : memref<196x128xi32, #tpu.memory_space<vmem>> -> memref<1x128xi32, #tpu.memory_space<vmem>>
      %dma_wait3A_260 = tpu.memref_squeeze %dma_wait3A_259 : memref<1x128xi32, #tpu.memory_space<vmem>> -> memref<128xi32, #tpu.memory_space<vmem>>
      %dma_wait3A_261 = arith.constant 0 : i32
      %dma_wait3A_262 = arith.constant 0 : i32
      %dma_wait3A_263 = tpu.memref_slice %arg2[%dma_wait3A_261, %dma_wait3A_262] : memref<800000x16xf32, #tpu.memory_space<hbm>> -> memref<800000x16xf32, #tpu.memory_space<hbm>>
      tpu.wait_indirect_dma semaphore(%arg12 : memref<!tpu.dma_semaphore, #tpu.memory_space<semaphore_mem>>) src(%dma_wait3A_263 : memref<800000x16xf32, #tpu.memory_space<hbm>>) dst(%dma_wait3A_257 : memref<128x16xf32, #tpu.memory_space<vmem>>)
      %add3A_264 = arith.constant 1 : i32
      %add3A_265 = arith.addi %mul3A_134, %add3A_264 : i32
      %run_scoped3A_266 = arith.constant 1 : i32
      "tpu.region"() ({
        %run_scoped3A_351 = tpu.sem_alloc : memref<!tpu.dma_semaphore, #tpu.memory_space<semaphore_mem>>
        %dma_start3A_352 = arith.constant 0 : i32
        %dma_start3A_353 = arith.constant 0 : i32
        %dma_start3A_354 = tpu.memref_slice %arg9[%run_scoped3A_266, %dma_start3A_352, %dma_start3A_353] : memref<8x128x16xf32, #tpu.memory_space<vmem>> -> memref<1x128x16xf32, #tpu.memory_space<vmem>>
        %dma_start3A_355 = tpu.memref_squeeze %dma_start3A_354 : memref<1x128x16xf32, #tpu.memory_space<vmem>> -> memref<128x16xf32, #tpu.memory_space<vmem>>
        %dma_start3A_356 = arith.constant 0 : i32
        %dma_start3A_357 = tpu.memref_slice %arg8[%add3A_265, %dma_start3A_356] : memref<196x128xi32, #tpu.memory_space<vmem>> -> memref<1x128xi32, #tpu.memory_space<vmem>>
        %dma_start3A_358 = tpu.memref_squeeze %dma_start3A_357 : memref<1x128xi32, #tpu.memory_space<vmem>> -> memref<128xi32, #tpu.memory_space<vmem>>
        %dma_start3A_359 = arith.constant 0 : i32
        %dma_start3A_360 = arith.constant 0 : i32
        %dma_start3A_361 = tpu.memref_slice %arg10[%dma_start3A_359, %dma_start3A_360] : memref<50048x16xf32, #tpu.memory_space<vmem_shared>> -> memref<50048x16xf32, #tpu.memory_space<vmem_shared>>
        tpu.enqueue_indirect_dma source(%dma_start3A_355 : memref<128x16xf32, #tpu.memory_space<vmem>>) target(%dma_start3A_361 : memref<50048x16xf32, #tpu.memory_space<vmem_shared>>) offsets(%dma_start3A_358 : memref<128xi32, #tpu.memory_space<vmem>>) semaphore(%run_scoped3A_351 : memref<!tpu.dma_semaphore, #tpu.memory_space<semaphore_mem>>) {add = true}
        %dma_wait3A_362 = arith.constant 0 : i32
        %dma_wait3A_363 = arith.constant 0 : i32
        %dma_wait3A_364 = tpu.memref_slice %arg9[%run_scoped3A_266, %dma_wait3A_362, %dma_wait3A_363] : memref<8x128x16xf32, #tpu.memory_space<vmem>> -> memref<1x128x16xf32, #tpu.memory_space<vmem>>
        %dma_wait3A_365 = tpu.memref_squeeze %dma_wait3A_364 : memref<1x128x16xf32, #tpu.memory_space<vmem>> -> memref<128x16xf32, #tpu.memory_space<vmem>>
        %dma_wait3A_366 = arith.constant 0 : i32
        %dma_wait3A_367 = tpu.memref_slice %arg8[%add3A_265, %dma_wait3A_366] : memref<196x128xi32, #tpu.memory_space<vmem>> -> memref<1x128xi32, #tpu.memory_space<vmem>>
        %dma_wait3A_368 = tpu.memref_squeeze %dma_wait3A_367 : memref<1x128xi32, #tpu.memory_space<vmem>> -> memref<128xi32, #tpu.memory_space<vmem>>
        %dma_wait3A_369 = arith.constant 0 : i32
        %dma_wait3A_370 = arith.constant 0 : i32
        %dma_wait3A_371 = tpu.memref_slice %arg10[%dma_wait3A_369, %dma_wait3A_370] : memref<50048x16xf32, #tpu.memory_space<vmem_shared>> -> memref<50048x16xf32, #tpu.memory_space<vmem_shared>>
        tpu.wait_indirect_dma semaphore(%run_scoped3A_351 : memref<!tpu.dma_semaphore, #tpu.memory_space<semaphore_mem>>) src(%dma_wait3A_365 : memref<128x16xf32, #tpu.memory_space<vmem>>) dst(%dma_wait3A_371 : memref<50048x16xf32, #tpu.memory_space<vmem_shared>>)
        tpu.yield
      }) : () -> ()
      %dma_wait3A_267 = arith.constant 2 : i32
      %dma_wait3A_268 = arith.constant 0 : i32
      %dma_wait3A_269 = arith.constant 0 : i32
      %dma_wait3A_270 = tpu.memref_slice %arg9[%dma_wait3A_267, %dma_wait3A_268, %dma_wait3A_269] : memref<8x128x16xf32, #tpu.memory_space<vmem>> -> memref<1x128x16xf32, #tpu.memory_space<vmem>>
      %dma_wait3A_271 = tpu.memref_squeeze %dma_wait3A_270 : memref<1x128x16xf32, #tpu.memory_space<vmem>> -> memref<128x16xf32, #tpu.memory_space<vmem>>
      %dma_wait3A_272 = arith.constant 0 : i32
      %dma_wait3A_273 = tpu.memref_slice %arg7[%add3A_162, %dma_wait3A_272] : memref<196x128xi32, #tpu.memory_space<vmem>> -> memref<1x128xi32, #tpu.memory_space<vmem>>
      %dma_wait3A_274 = tpu.memref_squeeze %dma_wait3A_273 : memref<1x128xi32, #tpu.memory_space<vmem>> -> memref<128xi32, #tpu.memory_space<vmem>>
      %dma_wait3A_275 = arith.constant 0 : i32
      %dma_wait3A_276 = arith.constant 0 : i32
      %dma_wait3A_277 = tpu.memref_slice %arg2[%dma_wait3A_275, %dma_wait3A_276] : memref<800000x16xf32, #tpu.memory_space<hbm>> -> memref<800000x16xf32, #tpu.memory_space<hbm>>
      tpu.wait_indirect_dma semaphore(%arg13 : memref<!tpu.dma_semaphore, #tpu.memory_space<semaphore_mem>>) src(%dma_wait3A_277 : memref<800000x16xf32, #tpu.memory_space<hbm>>) dst(%dma_wait3A_271 : memref<128x16xf32, #tpu.memory_space<vmem>>)
      %add3A_278 = arith.constant 2 : i32
      %add3A_279 = arith.addi %mul3A_134, %add3A_278 : i32
      %run_scoped3A_280 = arith.constant 2 : i32
      "tpu.region"() ({
        %run_scoped3A_351 = tpu.sem_alloc : memref<!tpu.dma_semaphore, #tpu.memory_space<semaphore_mem>>
        %dma_start3A_352 = arith.constant 0 : i32
        %dma_start3A_353 = arith.constant 0 : i32
        %dma_start3A_354 = tpu.memref_slice %arg9[%run_scoped3A_280, %dma_start3A_352, %dma_start3A_353] : memref<8x128x16xf32, #tpu.memory_space<vmem>> -> memref<1x128x16xf32, #tpu.memory_space<vmem>>
        %dma_start3A_355 = tpu.memref_squeeze %dma_start3A_354 : memref<1x128x16xf32, #tpu.memory_space<vmem>> -> memref<128x16xf32, #tpu.memory_space<vmem>>
        %dma_start3A_356 = arith.constant 0 : i32
        %dma_start3A_357 = tpu.memref_slice %arg8[%add3A_279, %dma_start3A_356] : memref<196x128xi32, #tpu.memory_space<vmem>> -> memref<1x128xi32, #tpu.memory_space<vmem>>
        %dma_start3A_358 = tpu.memref_squeeze %dma_start3A_357 : memref<1x128xi32, #tpu.memory_space<vmem>> -> memref<128xi32, #tpu.memory_space<vmem>>
        %dma_start3A_359 = arith.constant 0 : i32
        %dma_start3A_360 = arith.constant 0 : i32
        %dma_start3A_361 = tpu.memref_slice %arg10[%dma_start3A_359, %dma_start3A_360] : memref<50048x16xf32, #tpu.memory_space<vmem_shared>> -> memref<50048x16xf32, #tpu.memory_space<vmem_shared>>
        tpu.enqueue_indirect_dma source(%dma_start3A_355 : memref<128x16xf32, #tpu.memory_space<vmem>>) target(%dma_start3A_361 : memref<50048x16xf32, #tpu.memory_space<vmem_shared>>) offsets(%dma_start3A_358 : memref<128xi32, #tpu.memory_space<vmem>>) semaphore(%run_scoped3A_351 : memref<!tpu.dma_semaphore, #tpu.memory_space<semaphore_mem>>) {add = true}
        %dma_wait3A_362 = arith.constant 0 : i32
        %dma_wait3A_363 = arith.constant 0 : i32
        %dma_wait3A_364 = tpu.memref_slice %arg9[%run_scoped3A_280, %dma_wait3A_362, %dma_wait3A_363] : memref<8x128x16xf32, #tpu.memory_space<vmem>> -> memref<1x128x16xf32, #tpu.memory_space<vmem>>
        %dma_wait3A_365 = tpu.memref_squeeze %dma_wait3A_364 : memref<1x128x16xf32, #tpu.memory_space<vmem>> -> memref<128x16xf32, #tpu.memory_space<vmem>>
        %dma_wait3A_366 = arith.constant 0 : i32
        %dma_wait3A_367 = tpu.memref_slice %arg8[%add3A_279, %dma_wait3A_366] : memref<196x128xi32, #tpu.memory_space<vmem>> -> memref<1x128xi32, #tpu.memory_space<vmem>>
        %dma_wait3A_368 = tpu.memref_squeeze %dma_wait3A_367 : memref<1x128xi32, #tpu.memory_space<vmem>> -> memref<128xi32, #tpu.memory_space<vmem>>
        %dma_wait3A_369 = arith.constant 0 : i32
        %dma_wait3A_370 = arith.constant 0 : i32
        %dma_wait3A_371 = tpu.memref_slice %arg10[%dma_wait3A_369, %dma_wait3A_370] : memref<50048x16xf32, #tpu.memory_space<vmem_shared>> -> memref<50048x16xf32, #tpu.memory_space<vmem_shared>>
        tpu.wait_indirect_dma semaphore(%run_scoped3A_351 : memref<!tpu.dma_semaphore, #tpu.memory_space<semaphore_mem>>) src(%dma_wait3A_365 : memref<128x16xf32, #tpu.memory_space<vmem>>) dst(%dma_wait3A_371 : memref<50048x16xf32, #tpu.memory_space<vmem_shared>>)
        tpu.yield
      }) : () -> ()
      %dma_wait3A_281 = arith.constant 3 : i32
      %dma_wait3A_282 = arith.constant 0 : i32
      %dma_wait3A_283 = arith.constant 0 : i32
      %dma_wait3A_284 = tpu.memref_slice %arg9[%dma_wait3A_281, %dma_wait3A_282, %dma_wait3A_283] : memref<8x128x16xf32, #tpu.memory_space<vmem>> -> memref<1x128x16xf32, #tpu.memory_space<vmem>>
      %dma_wait3A_285 = tpu.memref_squeeze %dma_wait3A_284 : memref<1x128x16xf32, #tpu.memory_space<vmem>> -> memref<128x16xf32, #tpu.memory_space<vmem>>
      %dma_wait3A_286 = arith.constant 0 : i32
      %dma_wait3A_287 = tpu.memref_slice %arg7[%add3A_175, %dma_wait3A_286] : memref<196x128xi32, #tpu.memory_space<vmem>> -> memref<1x128xi32, #tpu.memory_space<vmem>>
      %dma_wait3A_288 = tpu.memref_squeeze %dma_wait3A_287 : memref<1x128xi32, #tpu.memory_space<vmem>> -> memref<128xi32, #tpu.memory_space<vmem>>
      %dma_wait3A_289 = arith.constant 0 : i32
      %dma_wait3A_290 = arith.constant 0 : i32
      %dma_wait3A_291 = tpu.memref_slice %arg2[%dma_wait3A_289, %dma_wait3A_290] : memref<800000x16xf32, #tpu.memory_space<hbm>> -> memref<800000x16xf32, #tpu.memory_space<hbm>>
      tpu.wait_indirect_dma semaphore(%arg14 : memref<!tpu.dma_semaphore, #tpu.memory_space<semaphore_mem>>) src(%dma_wait3A_291 : memref<800000x16xf32, #tpu.memory_space<hbm>>) dst(%dma_wait3A_285 : memref<128x16xf32, #tpu.memory_space<vmem>>)
      %add3A_292 = arith.constant 3 : i32
      %add3A_293 = arith.addi %mul3A_134, %add3A_292 : i32
      %run_scoped3A_294 = arith.constant 3 : i32
      "tpu.region"() ({
        %run_scoped3A_351 = tpu.sem_alloc : memref<!tpu.dma_semaphore, #tpu.memory_space<semaphore_mem>>
        %dma_start3A_352 = arith.constant 0 : i32
        %dma_start3A_353 = arith.constant 0 : i32
        %dma_start3A_354 = tpu.memref_slice %arg9[%run_scoped3A_294, %dma_start3A_352, %dma_start3A_353] : memref<8x128x16xf32, #tpu.memory_space<vmem>> -> memref<1x128x16xf32, #tpu.memory_space<vmem>>
        %dma_start3A_355 = tpu.memref_squeeze %dma_start3A_354 : memref<1x128x16xf32, #tpu.memory_space<vmem>> -> memref<128x16xf32, #tpu.memory_space<vmem>>
        %dma_start3A_356 = arith.constant 0 : i32
        %dma_start3A_357 = tpu.memref_slice %arg8[%add3A_293, %dma_start3A_356] : memref<196x128xi32, #tpu.memory_space<vmem>> -> memref<1x128xi32, #tpu.memory_space<vmem>>
        %dma_start3A_358 = tpu.memref_squeeze %dma_start3A_357 : memref<1x128xi32, #tpu.memory_space<vmem>> -> memref<128xi32, #tpu.memory_space<vmem>>
        %dma_start3A_359 = arith.constant 0 : i32
        %dma_start3A_360 = arith.constant 0 : i32
        %dma_start3A_361 = tpu.memref_slice %arg10[%dma_start3A_359, %dma_start3A_360] : memref<50048x16xf32, #tpu.memory_space<vmem_shared>> -> memref<50048x16xf32, #tpu.memory_space<vmem_shared>>
        tpu.enqueue_indirect_dma source(%dma_start3A_355 : memref<128x16xf32, #tpu.memory_space<vmem>>) target(%dma_start3A_361 : memref<50048x16xf32, #tpu.memory_space<vmem_shared>>) offsets(%dma_start3A_358 : memref<128xi32, #tpu.memory_space<vmem>>) semaphore(%run_scoped3A_351 : memref<!tpu.dma_semaphore, #tpu.memory_space<semaphore_mem>>) {add = true}
        %dma_wait3A_362 = arith.constant 0 : i32
        %dma_wait3A_363 = arith.constant 0 : i32
        %dma_wait3A_364 = tpu.memref_slice %arg9[%run_scoped3A_294, %dma_wait3A_362, %dma_wait3A_363] : memref<8x128x16xf32, #tpu.memory_space<vmem>> -> memref<1x128x16xf32, #tpu.memory_space<vmem>>
        %dma_wait3A_365 = tpu.memref_squeeze %dma_wait3A_364 : memref<1x128x16xf32, #tpu.memory_space<vmem>> -> memref<128x16xf32, #tpu.memory_space<vmem>>
        %dma_wait3A_366 = arith.constant 0 : i32
        %dma_wait3A_367 = tpu.memref_slice %arg8[%add3A_293, %dma_wait3A_366] : memref<196x128xi32, #tpu.memory_space<vmem>> -> memref<1x128xi32, #tpu.memory_space<vmem>>
        %dma_wait3A_368 = tpu.memref_squeeze %dma_wait3A_367 : memref<1x128xi32, #tpu.memory_space<vmem>> -> memref<128xi32, #tpu.memory_space<vmem>>
        %dma_wait3A_369 = arith.constant 0 : i32
        %dma_wait3A_370 = arith.constant 0 : i32
        %dma_wait3A_371 = tpu.memref_slice %arg10[%dma_wait3A_369, %dma_wait3A_370] : memref<50048x16xf32, #tpu.memory_space<vmem_shared>> -> memref<50048x16xf32, #tpu.memory_space<vmem_shared>>
        tpu.wait_indirect_dma semaphore(%run_scoped3A_351 : memref<!tpu.dma_semaphore, #tpu.memory_space<semaphore_mem>>) src(%dma_wait3A_365 : memref<128x16xf32, #tpu.memory_space<vmem>>) dst(%dma_wait3A_371 : memref<50048x16xf32, #tpu.memory_space<vmem_shared>>)
        tpu.yield
      }) : () -> ()
      %dma_wait3A_295 = arith.constant 4 : i32
      %dma_wait3A_296 = arith.constant 0 : i32
      %dma_wait3A_297 = arith.constant 0 : i32
      %dma_wait3A_298 = tpu.memref_slice %arg9[%dma_wait3A_295, %dma_wait3A_296, %dma_wait3A_297] : memref<8x128x16xf32, #tpu.memory_space<vmem>> -> memref<1x128x16xf32, #tpu.memory_space<vmem>>
      %dma_wait3A_299 = tpu.memref_squeeze %dma_wait3A_298 : memref<1x128x16xf32, #tpu.memory_space<vmem>> -> memref<128x16xf32, #tpu.memory_space<vmem>>
      %dma_wait3A_300 = arith.constant 0 : i32
      %dma_wait3A_301 = tpu.memref_slice %arg7[%add3A_188, %dma_wait3A_300] : memref<196x128xi32, #tpu.memory_space<vmem>> -> memref<1x128xi32, #tpu.memory_space<vmem>>
      %dma_wait3A_302 = tpu.memref_squeeze %dma_wait3A_301 : memref<1x128xi32, #tpu.memory_space<vmem>> -> memref<128xi32, #tpu.memory_space<vmem>>
      %dma_wait3A_303 = arith.constant 0 : i32
      %dma_wait3A_304 = arith.constant 0 : i32
      %dma_wait3A_305 = tpu.memref_slice %arg2[%dma_wait3A_303, %dma_wait3A_304] : memref<800000x16xf32, #tpu.memory_space<hbm>> -> memref<800000x16xf32, #tpu.memory_space<hbm>>
      tpu.wait_indirect_dma semaphore(%arg15 : memref<!tpu.dma_semaphore, #tpu.memory_space<semaphore_mem>>) src(%dma_wait3A_305 : memref<800000x16xf32, #tpu.memory_space<hbm>>) dst(%dma_wait3A_299 : memref<128x16xf32, #tpu.memory_space<vmem>>)
      %add3A_306 = arith.constant 4 : i32
      %add3A_307 = arith.addi %mul3A_134, %add3A_306 : i32
      %run_scoped3A_308 = arith.constant 4 : i32
      "tpu.region"() ({
        %run_scoped3A_351 = tpu.sem_alloc : memref<!tpu.dma_semaphore, #tpu.memory_space<semaphore_mem>>
        %dma_start3A_352 = arith.constant 0 : i32
        %dma_start3A_353 = arith.constant 0 : i32
        %dma_start3A_354 = tpu.memref_slice %arg9[%run_scoped3A_308, %dma_start3A_352, %dma_start3A_353] : memref<8x128x16xf32, #tpu.memory_space<vmem>> -> memref<1x128x16xf32, #tpu.memory_space<vmem>>
        %dma_start3A_355 = tpu.memref_squeeze %dma_start3A_354 : memref<1x128x16xf32, #tpu.memory_space<vmem>> -> memref<128x16xf32, #tpu.memory_space<vmem>>
        %dma_start3A_356 = arith.constant 0 : i32
        %dma_start3A_357 = tpu.memref_slice %arg8[%add3A_307, %dma_start3A_356] : memref<196x128xi32, #tpu.memory_space<vmem>> -> memref<1x128xi32, #tpu.memory_space<vmem>>
        %dma_start3A_358 = tpu.memref_squeeze %dma_start3A_357 : memref<1x128xi32, #tpu.memory_space<vmem>> -> memref<128xi32, #tpu.memory_space<vmem>>
        %dma_start3A_359 = arith.constant 0 : i32
        %dma_start3A_360 = arith.constant 0 : i32
        %dma_start3A_361 = tpu.memref_slice %arg10[%dma_start3A_359, %dma_start3A_360] : memref<50048x16xf32, #tpu.memory_space<vmem_shared>> -> memref<50048x16xf32, #tpu.memory_space<vmem_shared>>
        tpu.enqueue_indirect_dma source(%dma_start3A_355 : memref<128x16xf32, #tpu.memory_space<vmem>>) target(%dma_start3A_361 : memref<50048x16xf32, #tpu.memory_space<vmem_shared>>) offsets(%dma_start3A_358 : memref<128xi32, #tpu.memory_space<vmem>>) semaphore(%run_scoped3A_351 : memref<!tpu.dma_semaphore, #tpu.memory_space<semaphore_mem>>) {add = true}
        %dma_wait3A_362 = arith.constant 0 : i32
        %dma_wait3A_363 = arith.constant 0 : i32
        %dma_wait3A_364 = tpu.memref_slice %arg9[%run_scoped3A_308, %dma_wait3A_362, %dma_wait3A_363] : memref<8x128x16xf32, #tpu.memory_space<vmem>> -> memref<1x128x16xf32, #tpu.memory_space<vmem>>
        %dma_wait3A_365 = tpu.memref_squeeze %dma_wait3A_364 : memref<1x128x16xf32, #tpu.memory_space<vmem>> -> memref<128x16xf32, #tpu.memory_space<vmem>>
        %dma_wait3A_366 = arith.constant 0 : i32
        %dma_wait3A_367 = tpu.memref_slice %arg8[%add3A_307, %dma_wait3A_366] : memref<196x128xi32, #tpu.memory_space<vmem>> -> memref<1x128xi32, #tpu.memory_space<vmem>>
        %dma_wait3A_368 = tpu.memref_squeeze %dma_wait3A_367 : memref<1x128xi32, #tpu.memory_space<vmem>> -> memref<128xi32, #tpu.memory_space<vmem>>
        %dma_wait3A_369 = arith.constant 0 : i32
        %dma_wait3A_370 = arith.constant 0 : i32
        %dma_wait3A_371 = tpu.memref_slice %arg10[%dma_wait3A_369, %dma_wait3A_370] : memref<50048x16xf32, #tpu.memory_space<vmem_shared>> -> memref<50048x16xf32, #tpu.memory_space<vmem_shared>>
        tpu.wait_indirect_dma semaphore(%run_scoped3A_351 : memref<!tpu.dma_semaphore, #tpu.memory_space<semaphore_mem>>) src(%dma_wait3A_365 : memref<128x16xf32, #tpu.memory_space<vmem>>) dst(%dma_wait3A_371 : memref<50048x16xf32, #tpu.memory_space<vmem_shared>>)
        tpu.yield
      }) : () -> ()
      %dma_wait3A_309 = arith.constant 5 : i32
      %dma_wait3A_310 = arith.constant 0 : i32
      %dma_wait3A_311 = arith.constant 0 : i32
      %dma_wait3A_312 = tpu.memref_slice %arg9[%dma_wait3A_309, %dma_wait3A_310, %dma_wait3A_311] : memref<8x128x16xf32, #tpu.memory_space<vmem>> -> memref<1x128x16xf32, #tpu.memory_space<vmem>>
      %dma_wait3A_313 = tpu.memref_squeeze %dma_wait3A_312 : memref<1x128x16xf32, #tpu.memory_space<vmem>> -> memref<128x16xf32, #tpu.memory_space<vmem>>
      %dma_wait3A_314 = arith.constant 0 : i32
      %dma_wait3A_315 = tpu.memref_slice %arg7[%add3A_201, %dma_wait3A_314] : memref<196x128xi32, #tpu.memory_space<vmem>> -> memref<1x128xi32, #tpu.memory_space<vmem>>
      %dma_wait3A_316 = tpu.memref_squeeze %dma_wait3A_315 : memref<1x128xi32, #tpu.memory_space<vmem>> -> memref<128xi32, #tpu.memory_space<vmem>>
      %dma_wait3A_317 = arith.constant 0 : i32
      %dma_wait3A_318 = arith.constant 0 : i32
      %dma_wait3A_319 = tpu.memref_slice %arg2[%dma_wait3A_317, %dma_wait3A_318] : memref<800000x16xf32, #tpu.memory_space<hbm>> -> memref<800000x16xf32, #tpu.memory_space<hbm>>
      tpu.wait_indirect_dma semaphore(%arg16 : memref<!tpu.dma_semaphore, #tpu.memory_space<semaphore_mem>>) src(%dma_wait3A_319 : memref<800000x16xf32, #tpu.memory_space<hbm>>) dst(%dma_wait3A_313 : memref<128x16xf32, #tpu.memory_space<vmem>>)
      %add3A_320 = arith.constant 5 : i32
      %add3A_321 = arith.addi %mul3A_134, %add3A_320 : i32
      %run_scoped3A_322 = arith.constant 5 : i32
      "tpu.region"() ({
        %run_scoped3A_351 = tpu.sem_alloc : memref<!tpu.dma_semaphore, #tpu.memory_space<semaphore_mem>>
        %dma_start3A_352 = arith.constant 0 : i32
        %dma_start3A_353 = arith.constant 0 : i32
        %dma_start3A_354 = tpu.memref_slice %arg9[%run_scoped3A_322, %dma_start3A_352, %dma_start3A_353] : memref<8x128x16xf32, #tpu.memory_space<vmem>> -> memref<1x128x16xf32, #tpu.memory_space<vmem>>
        %dma_start3A_355 = tpu.memref_squeeze %dma_start3A_354 : memref<1x128x16xf32, #tpu.memory_space<vmem>> -> memref<128x16xf32, #tpu.memory_space<vmem>>
        %dma_start3A_356 = arith.constant 0 : i32
        %dma_start3A_357 = tpu.memref_slice %arg8[%add3A_321, %dma_start3A_356] : memref<196x128xi32, #tpu.memory_space<vmem>> -> memref<1x128xi32, #tpu.memory_space<vmem>>
        %dma_start3A_358 = tpu.memref_squeeze %dma_start3A_357 : memref<1x128xi32, #tpu.memory_space<vmem>> -> memref<128xi32, #tpu.memory_space<vmem>>
        %dma_start3A_359 = arith.constant 0 : i32
        %dma_start3A_360 = arith.constant 0 : i32
        %dma_start3A_361 = tpu.memref_slice %arg10[%dma_start3A_359, %dma_start3A_360] : memref<50048x16xf32, #tpu.memory_space<vmem_shared>> -> memref<50048x16xf32, #tpu.memory_space<vmem_shared>>
        tpu.enqueue_indirect_dma source(%dma_start3A_355 : memref<128x16xf32, #tpu.memory_space<vmem>>) target(%dma_start3A_361 : memref<50048x16xf32, #tpu.memory_space<vmem_shared>>) offsets(%dma_start3A_358 : memref<128xi32, #tpu.memory_space<vmem>>) semaphore(%run_scoped3A_351 : memref<!tpu.dma_semaphore, #tpu.memory_space<semaphore_mem>>) {add = true}
        %dma_wait3A_362 = arith.constant 0 : i32
        %dma_wait3A_363 = arith.constant 0 : i32
        %dma_wait3A_364 = tpu.memref_slice %arg9[%run_scoped3A_322, %dma_wait3A_362, %dma_wait3A_363] : memref<8x128x16xf32, #tpu.memory_space<vmem>> -> memref<1x128x16xf32, #tpu.memory_space<vmem>>
        %dma_wait3A_365 = tpu.memref_squeeze %dma_wait3A_364 : memref<1x128x16xf32, #tpu.memory_space<vmem>> -> memref<128x16xf32, #tpu.memory_space<vmem>>
        %dma_wait3A_366 = arith.constant 0 : i32
        %dma_wait3A_367 = tpu.memref_slice %arg8[%add3A_321, %dma_wait3A_366] : memref<196x128xi32, #tpu.memory_space<vmem>> -> memref<1x128xi32, #tpu.memory_space<vmem>>
        %dma_wait3A_368 = tpu.memref_squeeze %dma_wait3A_367 : memref<1x128xi32, #tpu.memory_space<vmem>> -> memref<128xi32, #tpu.memory_space<vmem>>
        %dma_wait3A_369 = arith.constant 0 : i32
        %dma_wait3A_370 = arith.constant 0 : i32
        %dma_wait3A_371 = tpu.memref_slice %arg10[%dma_wait3A_369, %dma_wait3A_370] : memref<50048x16xf32, #tpu.memory_space<vmem_shared>> -> memref<50048x16xf32, #tpu.memory_space<vmem_shared>>
        tpu.wait_indirect_dma semaphore(%run_scoped3A_351 : memref<!tpu.dma_semaphore, #tpu.memory_space<semaphore_mem>>) src(%dma_wait3A_365 : memref<128x16xf32, #tpu.memory_space<vmem>>) dst(%dma_wait3A_371 : memref<50048x16xf32, #tpu.memory_space<vmem_shared>>)
        tpu.yield
      }) : () -> ()
      %dma_wait3A_323 = arith.constant 6 : i32
      %dma_wait3A_324 = arith.constant 0 : i32
      %dma_wait3A_325 = arith.constant 0 : i32
      %dma_wait3A_326 = tpu.memref_slice %arg9[%dma_wait3A_323, %dma_wait3A_324, %dma_wait3A_325] : memref<8x128x16xf32, #tpu.memory_space<vmem>> -> memref<1x128x16xf32, #tpu.memory_space<vmem>>
      %dma_wait3A_327 = tpu.memref_squeeze %dma_wait3A_326 : memref<1x128x16xf32, #tpu.memory_space<vmem>> -> memref<128x16xf32, #tpu.memory_space<vmem>>
      %dma_wait3A_328 = arith.constant 0 : i32
      %dma_wait3A_329 = tpu.memref_slice %arg7[%add3A_214, %dma_wait3A_328] : memref<196x128xi32, #tpu.memory_space<vmem>> -> memref<1x128xi32, #tpu.memory_space<vmem>>
      %dma_wait3A_330 = tpu.memref_squeeze %dma_wait3A_329 : memref<1x128xi32, #tpu.memory_space<vmem>> -> memref<128xi32, #tpu.memory_space<vmem>>
      %dma_wait3A_331 = arith.constant 0 : i32
      %dma_wait3A_332 = arith.constant 0 : i32
      %dma_wait3A_333 = tpu.memref_slice %arg2[%dma_wait3A_331, %dma_wait3A_332] : memref<800000x16xf32, #tpu.memory_space<hbm>> -> memref<800000x16xf32, #tpu.memory_space<hbm>>
      tpu.wait_indirect_dma semaphore(%arg17 : memref<!tpu.dma_semaphore, #tpu.memory_space<semaphore_mem>>) src(%dma_wait3A_333 : memref<800000x16xf32, #tpu.memory_space<hbm>>) dst(%dma_wait3A_327 : memref<128x16xf32, #tpu.memory_space<vmem>>)
      %add3A_334 = arith.constant 6 : i32
      %add3A_335 = arith.addi %mul3A_134, %add3A_334 : i32
      %run_scoped3A_336 = arith.constant 6 : i32
      "tpu.region"() ({
        %run_scoped3A_351 = tpu.sem_alloc : memref<!tpu.dma_semaphore, #tpu.memory_space<semaphore_mem>>
        %dma_start3A_352 = arith.constant 0 : i32
        %dma_start3A_353 = arith.constant 0 : i32
        %dma_start3A_354 = tpu.memref_slice %arg9[%run_scoped3A_336, %dma_start3A_352, %dma_start3A_353] : memref<8x128x16xf32, #tpu.memory_space<vmem>> -> memref<1x128x16xf32, #tpu.memory_space<vmem>>
        %dma_start3A_355 = tpu.memref_squeeze %dma_start3A_354 : memref<1x128x16xf32, #tpu.memory_space<vmem>> -> memref<128x16xf32, #tpu.memory_space<vmem>>
        %dma_start3A_356 = arith.constant 0 : i32
        %dma_start3A_357 = tpu.memref_slice %arg8[%add3A_335, %dma_start3A_356] : memref<196x128xi32, #tpu.memory_space<vmem>> -> memref<1x128xi32, #tpu.memory_space<vmem>>
        %dma_start3A_358 = tpu.memref_squeeze %dma_start3A_357 : memref<1x128xi32, #tpu.memory_space<vmem>> -> memref<128xi32, #tpu.memory_space<vmem>>
        %dma_start3A_359 = arith.constant 0 : i32
        %dma_start3A_360 = arith.constant 0 : i32
        %dma_start3A_361 = tpu.memref_slice %arg10[%dma_start3A_359, %dma_start3A_360] : memref<50048x16xf32, #tpu.memory_space<vmem_shared>> -> memref<50048x16xf32, #tpu.memory_space<vmem_shared>>
        tpu.enqueue_indirect_dma source(%dma_start3A_355 : memref<128x16xf32, #tpu.memory_space<vmem>>) target(%dma_start3A_361 : memref<50048x16xf32, #tpu.memory_space<vmem_shared>>) offsets(%dma_start3A_358 : memref<128xi32, #tpu.memory_space<vmem>>) semaphore(%run_scoped3A_351 : memref<!tpu.dma_semaphore, #tpu.memory_space<semaphore_mem>>) {add = true}
        %dma_wait3A_362 = arith.constant 0 : i32
        %dma_wait3A_363 = arith.constant 0 : i32
        %dma_wait3A_364 = tpu.memref_slice %arg9[%run_scoped3A_336, %dma_wait3A_362, %dma_wait3A_363] : memref<8x128x16xf32, #tpu.memory_space<vmem>> -> memref<1x128x16xf32, #tpu.memory_space<vmem>>
        %dma_wait3A_365 = tpu.memref_squeeze %dma_wait3A_364 : memref<1x128x16xf32, #tpu.memory_space<vmem>> -> memref<128x16xf32, #tpu.memory_space<vmem>>
        %dma_wait3A_366 = arith.constant 0 : i32
        %dma_wait3A_367 = tpu.memref_slice %arg8[%add3A_335, %dma_wait3A_366] : memref<196x128xi32, #tpu.memory_space<vmem>> -> memref<1x128xi32, #tpu.memory_space<vmem>>
        %dma_wait3A_368 = tpu.memref_squeeze %dma_wait3A_367 : memref<1x128xi32, #tpu.memory_space<vmem>> -> memref<128xi32, #tpu.memory_space<vmem>>
        %dma_wait3A_369 = arith.constant 0 : i32
        %dma_wait3A_370 = arith.constant 0 : i32
        %dma_wait3A_371 = tpu.memref_slice %arg10[%dma_wait3A_369, %dma_wait3A_370] : memref<50048x16xf32, #tpu.memory_space<vmem_shared>> -> memref<50048x16xf32, #tpu.memory_space<vmem_shared>>
        tpu.wait_indirect_dma semaphore(%run_scoped3A_351 : memref<!tpu.dma_semaphore, #tpu.memory_space<semaphore_mem>>) src(%dma_wait3A_365 : memref<128x16xf32, #tpu.memory_space<vmem>>) dst(%dma_wait3A_371 : memref<50048x16xf32, #tpu.memory_space<vmem_shared>>)
        tpu.yield
      }) : () -> ()
      %dma_wait3A_337 = arith.constant 7 : i32
      %dma_wait3A_338 = arith.constant 0 : i32
      %dma_wait3A_339 = arith.constant 0 : i32
      %dma_wait3A_340 = tpu.memref_slice %arg9[%dma_wait3A_337, %dma_wait3A_338, %dma_wait3A_339] : memref<8x128x16xf32, #tpu.memory_space<vmem>> -> memref<1x128x16xf32, #tpu.memory_space<vmem>>
      %dma_wait3A_341 = tpu.memref_squeeze %dma_wait3A_340 : memref<1x128x16xf32, #tpu.memory_space<vmem>> -> memref<128x16xf32, #tpu.memory_space<vmem>>
      %dma_wait3A_342 = arith.constant 0 : i32
      %dma_wait3A_343 = tpu.memref_slice %arg7[%add3A_227, %dma_wait3A_342] : memref<196x128xi32, #tpu.memory_space<vmem>> -> memref<1x128xi32, #tpu.memory_space<vmem>>
      %dma_wait3A_344 = tpu.memref_squeeze %dma_wait3A_343 : memref<1x128xi32, #tpu.memory_space<vmem>> -> memref<128xi32, #tpu.memory_space<vmem>>
      %dma_wait3A_345 = arith.constant 0 : i32
      %dma_wait3A_346 = arith.constant 0 : i32
      %dma_wait3A_347 = tpu.memref_slice %arg2[%dma_wait3A_345, %dma_wait3A_346] : memref<800000x16xf32, #tpu.memory_space<hbm>> -> memref<800000x16xf32, #tpu.memory_space<hbm>>
      tpu.wait_indirect_dma semaphore(%arg18 : memref<!tpu.dma_semaphore, #tpu.memory_space<semaphore_mem>>) src(%dma_wait3A_347 : memref<800000x16xf32, #tpu.memory_space<hbm>>) dst(%dma_wait3A_341 : memref<128x16xf32, #tpu.memory_space<vmem>>)
      %add3A_348 = arith.constant 7 : i32
      %add3A_349 = arith.addi %mul3A_134, %add3A_348 : i32
      %run_scoped3A_350 = arith.constant 7 : i32
      "tpu.region"() ({
        %run_scoped3A_351 = tpu.sem_alloc : memref<!tpu.dma_semaphore, #tpu.memory_space<semaphore_mem>>
        %dma_start3A_352 = arith.constant 0 : i32
        %dma_start3A_353 = arith.constant 0 : i32
        %dma_start3A_354 = tpu.memref_slice %arg9[%run_scoped3A_350, %dma_start3A_352, %dma_start3A_353] : memref<8x128x16xf32, #tpu.memory_space<vmem>> -> memref<1x128x16xf32, #tpu.memory_space<vmem>>
        %dma_start3A_355 = tpu.memref_squeeze %dma_start3A_354 : memref<1x128x16xf32, #tpu.memory_space<vmem>> -> memref<128x16xf32, #tpu.memory_space<vmem>>
        %dma_start3A_356 = arith.constant 0 : i32
        %dma_start3A_357 = tpu.memref_slice %arg8[%add3A_349, %dma_start3A_356] : memref<196x128xi32, #tpu.memory_space<vmem>> -> memref<1x128xi32, #tpu.memory_space<vmem>>
        %dma_start3A_358 = tpu.memref_squeeze %dma_start3A_357 : memref<1x128xi32, #tpu.memory_space<vmem>> -> memref<128xi32, #tpu.memory_space<vmem>>
        %dma_start3A_359 = arith.constant 0 : i32
        %dma_start3A_360 = arith.constant 0 : i32
        %dma_start3A_361 = tpu.memref_slice %arg10[%dma_start3A_359, %dma_start3A_360] : memref<50048x16xf32, #tpu.memory_space<vmem_shared>> -> memref<50048x16xf32, #tpu.memory_space<vmem_shared>>
        tpu.enqueue_indirect_dma source(%dma_start3A_355 : memref<128x16xf32, #tpu.memory_space<vmem>>) target(%dma_start3A_361 : memref<50048x16xf32, #tpu.memory_space<vmem_shared>>) offsets(%dma_start3A_358 : memref<128xi32, #tpu.memory_space<vmem>>) semaphore(%run_scoped3A_351 : memref<!tpu.dma_semaphore, #tpu.memory_space<semaphore_mem>>) {add = true}
        %dma_wait3A_362 = arith.constant 0 : i32
        %dma_wait3A_363 = arith.constant 0 : i32
        %dma_wait3A_364 = tpu.memref_slice %arg9[%run_scoped3A_350, %dma_wait3A_362, %dma_wait3A_363] : memref<8x128x16xf32, #tpu.memory_space<vmem>> -> memref<1x128x16xf32, #tpu.memory_space<vmem>>
        %dma_wait3A_365 = tpu.memref_squeeze %dma_wait3A_364 : memref<1x128x16xf32, #tpu.memory_space<vmem>> -> memref<128x16xf32, #tpu.memory_space<vmem>>
        %dma_wait3A_366 = arith.constant 0 : i32
        %dma_wait3A_367 = tpu.memref_slice %arg8[%add3A_349, %dma_wait3A_366] : memref<196x128xi32, #tpu.memory_space<vmem>> -> memref<1x128xi32, #tpu.memory_space<vmem>>
        %dma_wait3A_368 = tpu.memref_squeeze %dma_wait3A_367 : memref<1x128xi32, #tpu.memory_space<vmem>> -> memref<128xi32, #tpu.memory_space<vmem>>
        %dma_wait3A_369 = arith.constant 0 : i32
        %dma_wait3A_370 = arith.constant 0 : i32
        %dma_wait3A_371 = tpu.memref_slice %arg10[%dma_wait3A_369, %dma_wait3A_370] : memref<50048x16xf32, #tpu.memory_space<vmem_shared>> -> memref<50048x16xf32, #tpu.memory_space<vmem_shared>>
        tpu.wait_indirect_dma semaphore(%run_scoped3A_351 : memref<!tpu.dma_semaphore, #tpu.memory_space<semaphore_mem>>) src(%dma_wait3A_365 : memref<128x16xf32, #tpu.memory_space<vmem>>) dst(%dma_wait3A_371 : memref<50048x16xf32, #tpu.memory_space<vmem_shared>>)
        tpu.yield
      }) : () -> ()
    }
    %scan3A_28 = arith.constant 24 : i32
    %dma_start3A = arith.constant 192 : i32
    %dma_start3A_29 = arith.constant 0 : i32
    %dma_start3A_30 = arith.constant 0 : i32
    %dma_start3A_31 = arith.constant 0 : i32
    %dma_start3A_32 = tpu.memref_slice %arg9[%dma_start3A_29, %dma_start3A_30, %dma_start3A_31] : memref<8x128x16xf32, #tpu.memory_space<vmem>> -> memref<1x128x16xf32, #tpu.memory_space<vmem>>
    %dma_start3A_33 = tpu.memref_squeeze %dma_start3A_32 : memref<1x128x16xf32, #tpu.memory_space<vmem>> -> memref<128x16xf32, #tpu.memory_space<vmem>>
    %dma_start3A_34 = arith.constant 0 : i32
    %dma_start3A_35 = tpu.memref_slice %arg7[%dma_start3A, %dma_start3A_34] : memref<196x128xi32, #tpu.memory_space<vmem>> -> memref<1x128xi32, #tpu.memory_space<vmem>>
    %dma_start3A_36 = tpu.memref_squeeze %dma_start3A_35 : memref<1x128xi32, #tpu.memory_space<vmem>> -> memref<128xi32, #tpu.memory_space<vmem>>
    %dma_start3A_37 = arith.constant 0 : i32
    %dma_start3A_38 = arith.constant 0 : i32
    %dma_start3A_39 = tpu.memref_slice %arg2[%dma_start3A_37, %dma_start3A_38] : memref<800000x16xf32, #tpu.memory_space<hbm>> -> memref<800000x16xf32, #tpu.memory_space<hbm>>
    tpu.enqueue_indirect_dma source(%dma_start3A_39 : memref<800000x16xf32, #tpu.memory_space<hbm>>) target(%dma_start3A_33 : memref<128x16xf32, #tpu.memory_space<vmem>>) offsets(%dma_start3A_36 : memref<128xi32, #tpu.memory_space<vmem>>) semaphore(%arg11 : memref<!tpu.dma_semaphore, #tpu.memory_space<semaphore_mem>>)
    %dma_start3A_40 = arith.constant 193 : i32
    %dma_start3A_41 = arith.constant 1 : i32
    %dma_start3A_42 = arith.constant 0 : i32
    %dma_start3A_43 = arith.constant 0 : i32
    %dma_start3A_44 = tpu.memref_slice %arg9[%dma_start3A_41, %dma_start3A_42, %dma_start3A_43] : memref<8x128x16xf32, #tpu.memory_space<vmem>> -> memref<1x128x16xf32, #tpu.memory_space<vmem>>
    %dma_start3A_45 = tpu.memref_squeeze %dma_start3A_44 : memref<1x128x16xf32, #tpu.memory_space<vmem>> -> memref<128x16xf32, #tpu.memory_space<vmem>>
    %dma_start3A_46 = arith.constant 0 : i32
    %dma_start3A_47 = tpu.memref_slice %arg7[%dma_start3A_40, %dma_start3A_46] : memref<196x128xi32, #tpu.memory_space<vmem>> -> memref<1x128xi32, #tpu.memory_space<vmem>>
    %dma_start3A_48 = tpu.memref_squeeze %dma_start3A_47 : memref<1x128xi32, #tpu.memory_space<vmem>> -> memref<128xi32, #tpu.memory_space<vmem>>
    %dma_start3A_49 = arith.constant 0 : i32
    %dma_start3A_50 = arith.constant 0 : i32
    %dma_start3A_51 = tpu.memref_slice %arg2[%dma_start3A_49, %dma_start3A_50] : memref<800000x16xf32, #tpu.memory_space<hbm>> -> memref<800000x16xf32, #tpu.memory_space<hbm>>
    tpu.enqueue_indirect_dma source(%dma_start3A_51 : memref<800000x16xf32, #tpu.memory_space<hbm>>) target(%dma_start3A_45 : memref<128x16xf32, #tpu.memory_space<vmem>>) offsets(%dma_start3A_48 : memref<128xi32, #tpu.memory_space<vmem>>) semaphore(%arg12 : memref<!tpu.dma_semaphore, #tpu.memory_space<semaphore_mem>>)
    %dma_start3A_52 = arith.constant 194 : i32
    %dma_start3A_53 = arith.constant 2 : i32
    %dma_start3A_54 = arith.constant 0 : i32
    %dma_start3A_55 = arith.constant 0 : i32
    %dma_start3A_56 = tpu.memref_slice %arg9[%dma_start3A_53, %dma_start3A_54, %dma_start3A_55] : memref<8x128x16xf32, #tpu.memory_space<vmem>> -> memref<1x128x16xf32, #tpu.memory_space<vmem>>
    %dma_start3A_57 = tpu.memref_squeeze %dma_start3A_56 : memref<1x128x16xf32, #tpu.memory_space<vmem>> -> memref<128x16xf32, #tpu.memory_space<vmem>>
    %dma_start3A_58 = arith.constant 0 : i32
    %dma_start3A_59 = tpu.memref_slice %arg7[%dma_start3A_52, %dma_start3A_58] : memref<196x128xi32, #tpu.memory_space<vmem>> -> memref<1x128xi32, #tpu.memory_space<vmem>>
    %dma_start3A_60 = tpu.memref_squeeze %dma_start3A_59 : memref<1x128xi32, #tpu.memory_space<vmem>> -> memref<128xi32, #tpu.memory_space<vmem>>
    %dma_start3A_61 = arith.constant 0 : i32
    %dma_start3A_62 = arith.constant 0 : i32
    %dma_start3A_63 = tpu.memref_slice %arg2[%dma_start3A_61, %dma_start3A_62] : memref<800000x16xf32, #tpu.memory_space<hbm>> -> memref<800000x16xf32, #tpu.memory_space<hbm>>
    tpu.enqueue_indirect_dma source(%dma_start3A_63 : memref<800000x16xf32, #tpu.memory_space<hbm>>) target(%dma_start3A_57 : memref<128x16xf32, #tpu.memory_space<vmem>>) offsets(%dma_start3A_60 : memref<128xi32, #tpu.memory_space<vmem>>) semaphore(%arg13 : memref<!tpu.dma_semaphore, #tpu.memory_space<semaphore_mem>>)
    %dma_start3A_64 = arith.constant 195 : i32
    %dma_start3A_65 = arith.constant 3 : i32
    %dma_start3A_66 = arith.constant 0 : i32
    %dma_start3A_67 = arith.constant 0 : i32
    %dma_start3A_68 = tpu.memref_slice %arg9[%dma_start3A_65, %dma_start3A_66, %dma_start3A_67] : memref<8x128x16xf32, #tpu.memory_space<vmem>> -> memref<1x128x16xf32, #tpu.memory_space<vmem>>
    %dma_start3A_69 = tpu.memref_squeeze %dma_start3A_68 : memref<1x128x16xf32, #tpu.memory_space<vmem>> -> memref<128x16xf32, #tpu.memory_space<vmem>>
    %dma_start3A_70 = arith.constant 0 : i32
    %dma_start3A_71 = tpu.memref_slice %arg7[%dma_start3A_64, %dma_start3A_70] : memref<196x128xi32, #tpu.memory_space<vmem>> -> memref<1x128xi32, #tpu.memory_space<vmem>>
    %dma_start3A_72 = tpu.memref_squeeze %dma_start3A_71 : memref<1x128xi32, #tpu.memory_space<vmem>> -> memref<128xi32, #tpu.memory_space<vmem>>
    %dma_start3A_73 = arith.constant 0 : i32
    %dma_start3A_74 = arith.constant 0 : i32
    %dma_start3A_75 = tpu.memref_slice %arg2[%dma_start3A_73, %dma_start3A_74] : memref<800000x16xf32, #tpu.memory_space<hbm>> -> memref<800000x16xf32, #tpu.memory_space<hbm>>
    tpu.enqueue_indirect_dma source(%dma_start3A_75 : memref<800000x16xf32, #tpu.memory_space<hbm>>) target(%dma_start3A_69 : memref<128x16xf32, #tpu.memory_space<vmem>>) offsets(%dma_start3A_72 : memref<128xi32, #tpu.memory_space<vmem>>) semaphore(%arg14 : memref<!tpu.dma_semaphore, #tpu.memory_space<semaphore_mem>>)
    %dma_wait3A = arith.constant 192 : i32
    %dma_wait3A_76 = arith.constant 0 : i32
    %dma_wait3A_77 = arith.constant 0 : i32
    %dma_wait3A_78 = arith.constant 0 : i32
    %dma_wait3A_79 = tpu.memref_slice %arg9[%dma_wait3A_76, %dma_wait3A_77, %dma_wait3A_78] : memref<8x128x16xf32, #tpu.memory_space<vmem>> -> memref<1x128x16xf32, #tpu.memory_space<vmem>>
    %dma_wait3A_80 = tpu.memref_squeeze %dma_wait3A_79 : memref<1x128x16xf32, #tpu.memory_space<vmem>> -> memref<128x16xf32, #tpu.memory_space<vmem>>
    %dma_wait3A_81 = arith.constant 0 : i32
    %dma_wait3A_82 = tpu.memref_slice %arg7[%dma_wait3A, %dma_wait3A_81] : memref<196x128xi32, #tpu.memory_space<vmem>> -> memref<1x128xi32, #tpu.memory_space<vmem>>
    %dma_wait3A_83 = tpu.memref_squeeze %dma_wait3A_82 : memref<1x128xi32, #tpu.memory_space<vmem>> -> memref<128xi32, #tpu.memory_space<vmem>>
    %dma_wait3A_84 = arith.constant 0 : i32
    %dma_wait3A_85 = arith.constant 0 : i32
    %dma_wait3A_86 = tpu.memref_slice %arg2[%dma_wait3A_84, %dma_wait3A_85] : memref<800000x16xf32, #tpu.memory_space<hbm>> -> memref<800000x16xf32, #tpu.memory_space<hbm>>
    tpu.wait_indirect_dma semaphore(%arg11 : memref<!tpu.dma_semaphore, #tpu.memory_space<semaphore_mem>>) src(%dma_wait3A_86 : memref<800000x16xf32, #tpu.memory_space<hbm>>) dst(%dma_wait3A_80 : memref<128x16xf32, #tpu.memory_space<vmem>>)
    %run_scoped3A_87 = arith.constant 0 : i32
    %run_scoped3A_88 = arith.constant 192 : i32
    "tpu.region"() ({
      %run_scoped3A_132 = tpu.sem_alloc : memref<!tpu.dma_semaphore, #tpu.memory_space<semaphore_mem>>
      %dma_start3A_133 = arith.constant 0 : i32
      %dma_start3A_134 = arith.constant 0 : i32
      %dma_start3A_135 = tpu.memref_slice %arg9[%run_scoped3A_87, %dma_start3A_133, %dma_start3A_134] : memref<8x128x16xf32, #tpu.memory_space<vmem>> -> memref<1x128x16xf32, #tpu.memory_space<vmem>>
      %dma_start3A_136 = tpu.memref_squeeze %dma_start3A_135 : memref<1x128x16xf32, #tpu.memory_space<vmem>> -> memref<128x16xf32, #tpu.memory_space<vmem>>
      %dma_start3A_137 = arith.constant 0 : i32
      %dma_start3A_138 = tpu.memref_slice %arg8[%run_scoped3A_88, %dma_start3A_137] : memref<196x128xi32, #tpu.memory_space<vmem>> -> memref<1x128xi32, #tpu.memory_space<vmem>>
      %dma_start3A_139 = tpu.memref_squeeze %dma_start3A_138 : memref<1x128xi32, #tpu.memory_space<vmem>> -> memref<128xi32, #tpu.memory_space<vmem>>
      %dma_start3A_140 = arith.constant 0 : i32
      %dma_start3A_141 = arith.constant 0 : i32
      %dma_start3A_142 = tpu.memref_slice %arg10[%dma_start3A_140, %dma_start3A_141] : memref<50048x16xf32, #tpu.memory_space<vmem_shared>> -> memref<50048x16xf32, #tpu.memory_space<vmem_shared>>
      tpu.enqueue_indirect_dma source(%dma_start3A_136 : memref<128x16xf32, #tpu.memory_space<vmem>>) target(%dma_start3A_142 : memref<50048x16xf32, #tpu.memory_space<vmem_shared>>) offsets(%dma_start3A_139 : memref<128xi32, #tpu.memory_space<vmem>>) semaphore(%run_scoped3A_132 : memref<!tpu.dma_semaphore, #tpu.memory_space<semaphore_mem>>) {add = true}
      %dma_wait3A_143 = arith.constant 0 : i32
      %dma_wait3A_144 = arith.constant 0 : i32
      %dma_wait3A_145 = tpu.memref_slice %arg9[%run_scoped3A_87, %dma_wait3A_143, %dma_wait3A_144] : memref<8x128x16xf32, #tpu.memory_space<vmem>> -> memref<1x128x16xf32, #tpu.memory_space<vmem>>
      %dma_wait3A_146 = tpu.memref_squeeze %dma_wait3A_145 : memref<1x128x16xf32, #tpu.memory_space<vmem>> -> memref<128x16xf32, #tpu.memory_space<vmem>>
      %dma_wait3A_147 = arith.constant 0 : i32
      %dma_wait3A_148 = tpu.memref_slice %arg8[%run_scoped3A_88, %dma_wait3A_147] : memref<196x128xi32, #tpu.memory_space<vmem>> -> memref<1x128xi32, #tpu.memory_space<vmem>>
      %dma_wait3A_149 = tpu.memref_squeeze %dma_wait3A_148 : memref<1x128xi32, #tpu.memory_space<vmem>> -> memref<128xi32, #tpu.memory_space<vmem>>
      %dma_wait3A_150 = arith.constant 0 : i32
      %dma_wait3A_151 = arith.constant 0 : i32
      %dma_wait3A_152 = tpu.memref_slice %arg10[%dma_wait3A_150, %dma_wait3A_151] : memref<50048x16xf32, #tpu.memory_space<vmem_shared>> -> memref<50048x16xf32, #tpu.memory_space<vmem_shared>>
      tpu.wait_indirect_dma semaphore(%run_scoped3A_132 : memref<!tpu.dma_semaphore, #tpu.memory_space<semaphore_mem>>) src(%dma_wait3A_146 : memref<128x16xf32, #tpu.memory_space<vmem>>) dst(%dma_wait3A_152 : memref<50048x16xf32, #tpu.memory_space<vmem_shared>>)
      tpu.yield
    }) : () -> ()
    %dma_wait3A_89 = arith.constant 193 : i32
    %dma_wait3A_90 = arith.constant 1 : i32
    %dma_wait3A_91 = arith.constant 0 : i32
    %dma_wait3A_92 = arith.constant 0 : i32
    %dma_wait3A_93 = tpu.memref_slice %arg9[%dma_wait3A_90, %dma_wait3A_91, %dma_wait3A_92] : memref<8x128x16xf32, #tpu.memory_space<vmem>> -> memref<1x128x16xf32, #tpu.memory_space<vmem>>
    %dma_wait3A_94 = tpu.memref_squeeze %dma_wait3A_93 : memref<1x128x16xf32, #tpu.memory_space<vmem>> -> memref<128x16xf32, #tpu.memory_space<vmem>>
    %dma_wait3A_95 = arith.constant 0 : i32
    %dma_wait3A_96 = tpu.memref_slice %arg7[%dma_wait3A_89, %dma_wait3A_95] : memref<196x128xi32, #tpu.memory_space<vmem>> -> memref<1x128xi32, #tpu.memory_space<vmem>>
    %dma_wait3A_97 = tpu.memref_squeeze %dma_wait3A_96 : memref<1x128xi32, #tpu.memory_space<vmem>> -> memref<128xi32, #tpu.memory_space<vmem>>
    %dma_wait3A_98 = arith.constant 0 : i32
    %dma_wait3A_99 = arith.constant 0 : i32
    %dma_wait3A_100 = tpu.memref_slice %arg2[%dma_wait3A_98, %dma_wait3A_99] : memref<800000x16xf32, #tpu.memory_space<hbm>> -> memref<800000x16xf32, #tpu.memory_space<hbm>>
    tpu.wait_indirect_dma semaphore(%arg12 : memref<!tpu.dma_semaphore, #tpu.memory_space<semaphore_mem>>) src(%dma_wait3A_100 : memref<800000x16xf32, #tpu.memory_space<hbm>>) dst(%dma_wait3A_94 : memref<128x16xf32, #tpu.memory_space<vmem>>)
    %run_scoped3A_101 = arith.constant 1 : i32
    %run_scoped3A_102 = arith.constant 193 : i32
    "tpu.region"() ({
      %run_scoped3A_132 = tpu.sem_alloc : memref<!tpu.dma_semaphore, #tpu.memory_space<semaphore_mem>>
      %dma_start3A_133 = arith.constant 0 : i32
      %dma_start3A_134 = arith.constant 0 : i32
      %dma_start3A_135 = tpu.memref_slice %arg9[%run_scoped3A_101, %dma_start3A_133, %dma_start3A_134] : memref<8x128x16xf32, #tpu.memory_space<vmem>> -> memref<1x128x16xf32, #tpu.memory_space<vmem>>
      %dma_start3A_136 = tpu.memref_squeeze %dma_start3A_135 : memref<1x128x16xf32, #tpu.memory_space<vmem>> -> memref<128x16xf32, #tpu.memory_space<vmem>>
      %dma_start3A_137 = arith.constant 0 : i32
      %dma_start3A_138 = tpu.memref_slice %arg8[%run_scoped3A_102, %dma_start3A_137] : memref<196x128xi32, #tpu.memory_space<vmem>> -> memref<1x128xi32, #tpu.memory_space<vmem>>
      %dma_start3A_139 = tpu.memref_squeeze %dma_start3A_138 : memref<1x128xi32, #tpu.memory_space<vmem>> -> memref<128xi32, #tpu.memory_space<vmem>>
      %dma_start3A_140 = arith.constant 0 : i32
      %dma_start3A_141 = arith.constant 0 : i32
      %dma_start3A_142 = tpu.memref_slice %arg10[%dma_start3A_140, %dma_start3A_141] : memref<50048x16xf32, #tpu.memory_space<vmem_shared>> -> memref<50048x16xf32, #tpu.memory_space<vmem_shared>>
      tpu.enqueue_indirect_dma source(%dma_start3A_136 : memref<128x16xf32, #tpu.memory_space<vmem>>) target(%dma_start3A_142 : memref<50048x16xf32, #tpu.memory_space<vmem_shared>>) offsets(%dma_start3A_139 : memref<128xi32, #tpu.memory_space<vmem>>) semaphore(%run_scoped3A_132 : memref<!tpu.dma_semaphore, #tpu.memory_space<semaphore_mem>>) {add = true}
      %dma_wait3A_143 = arith.constant 0 : i32
      %dma_wait3A_144 = arith.constant 0 : i32
      %dma_wait3A_145 = tpu.memref_slice %arg9[%run_scoped3A_101, %dma_wait3A_143, %dma_wait3A_144] : memref<8x128x16xf32, #tpu.memory_space<vmem>> -> memref<1x128x16xf32, #tpu.memory_space<vmem>>
      %dma_wait3A_146 = tpu.memref_squeeze %dma_wait3A_145 : memref<1x128x16xf32, #tpu.memory_space<vmem>> -> memref<128x16xf32, #tpu.memory_space<vmem>>
      %dma_wait3A_147 = arith.constant 0 : i32
      %dma_wait3A_148 = tpu.memref_slice %arg8[%run_scoped3A_102, %dma_wait3A_147] : memref<196x128xi32, #tpu.memory_space<vmem>> -> memref<1x128xi32, #tpu.memory_space<vmem>>
      %dma_wait3A_149 = tpu.memref_squeeze %dma_wait3A_148 : memref<1x128xi32, #tpu.memory_space<vmem>> -> memref<128xi32, #tpu.memory_space<vmem>>
      %dma_wait3A_150 = arith.constant 0 : i32
      %dma_wait3A_151 = arith.constant 0 : i32
      %dma_wait3A_152 = tpu.memref_slice %arg10[%dma_wait3A_150, %dma_wait3A_151] : memref<50048x16xf32, #tpu.memory_space<vmem_shared>> -> memref<50048x16xf32, #tpu.memory_space<vmem_shared>>
      tpu.wait_indirect_dma semaphore(%run_scoped3A_132 : memref<!tpu.dma_semaphore, #tpu.memory_space<semaphore_mem>>) src(%dma_wait3A_146 : memref<128x16xf32, #tpu.memory_space<vmem>>) dst(%dma_wait3A_152 : memref<50048x16xf32, #tpu.memory_space<vmem_shared>>)
      tpu.yield
    }) : () -> ()
    %dma_wait3A_103 = arith.constant 194 : i32
    %dma_wait3A_104 = arith.constant 2 : i32
    %dma_wait3A_105 = arith.constant 0 : i32
    %dma_wait3A_106 = arith.constant 0 : i32
    %dma_wait3A_107 = tpu.memref_slice %arg9[%dma_wait3A_104, %dma_wait3A_105, %dma_wait3A_106] : memref<8x128x16xf32, #tpu.memory_space<vmem>> -> memref<1x128x16xf32, #tpu.memory_space<vmem>>
    %dma_wait3A_108 = tpu.memref_squeeze %dma_wait3A_107 : memref<1x128x16xf32, #tpu.memory_space<vmem>> -> memref<128x16xf32, #tpu.memory_space<vmem>>
    %dma_wait3A_109 = arith.constant 0 : i32
    %dma_wait3A_110 = tpu.memref_slice %arg7[%dma_wait3A_103, %dma_wait3A_109] : memref<196x128xi32, #tpu.memory_space<vmem>> -> memref<1x128xi32, #tpu.memory_space<vmem>>
    %dma_wait3A_111 = tpu.memref_squeeze %dma_wait3A_110 : memref<1x128xi32, #tpu.memory_space<vmem>> -> memref<128xi32, #tpu.memory_space<vmem>>
    %dma_wait3A_112 = arith.constant 0 : i32
    %dma_wait3A_113 = arith.constant 0 : i32
    %dma_wait3A_114 = tpu.memref_slice %arg2[%dma_wait3A_112, %dma_wait3A_113] : memref<800000x16xf32, #tpu.memory_space<hbm>> -> memref<800000x16xf32, #tpu.memory_space<hbm>>
    tpu.wait_indirect_dma semaphore(%arg13 : memref<!tpu.dma_semaphore, #tpu.memory_space<semaphore_mem>>) src(%dma_wait3A_114 : memref<800000x16xf32, #tpu.memory_space<hbm>>) dst(%dma_wait3A_108 : memref<128x16xf32, #tpu.memory_space<vmem>>)
    %run_scoped3A_115 = arith.constant 2 : i32
    %run_scoped3A_116 = arith.constant 194 : i32
    "tpu.region"() ({
      %run_scoped3A_132 = tpu.sem_alloc : memref<!tpu.dma_semaphore, #tpu.memory_space<semaphore_mem>>
      %dma_start3A_133 = arith.constant 0 : i32
      %dma_start3A_134 = arith.constant 0 : i32
      %dma_start3A_135 = tpu.memref_slice %arg9[%run_scoped3A_115, %dma_start3A_133, %dma_start3A_134] : memref<8x128x16xf32, #tpu.memory_space<vmem>> -> memref<1x128x16xf32, #tpu.memory_space<vmem>>
      %dma_start3A_136 = tpu.memref_squeeze %dma_start3A_135 : memref<1x128x16xf32, #tpu.memory_space<vmem>> -> memref<128x16xf32, #tpu.memory_space<vmem>>
      %dma_start3A_137 = arith.constant 0 : i32
      %dma_start3A_138 = tpu.memref_slice %arg8[%run_scoped3A_116, %dma_start3A_137] : memref<196x128xi32, #tpu.memory_space<vmem>> -> memref<1x128xi32, #tpu.memory_space<vmem>>
      %dma_start3A_139 = tpu.memref_squeeze %dma_start3A_138 : memref<1x128xi32, #tpu.memory_space<vmem>> -> memref<128xi32, #tpu.memory_space<vmem>>
      %dma_start3A_140 = arith.constant 0 : i32
      %dma_start3A_141 = arith.constant 0 : i32
      %dma_start3A_142 = tpu.memref_slice %arg10[%dma_start3A_140, %dma_start3A_141] : memref<50048x16xf32, #tpu.memory_space<vmem_shared>> -> memref<50048x16xf32, #tpu.memory_space<vmem_shared>>
      tpu.enqueue_indirect_dma source(%dma_start3A_136 : memref<128x16xf32, #tpu.memory_space<vmem>>) target(%dma_start3A_142 : memref<50048x16xf32, #tpu.memory_space<vmem_shared>>) offsets(%dma_start3A_139 : memref<128xi32, #tpu.memory_space<vmem>>) semaphore(%run_scoped3A_132 : memref<!tpu.dma_semaphore, #tpu.memory_space<semaphore_mem>>) {add = true}
      %dma_wait3A_143 = arith.constant 0 : i32
      %dma_wait3A_144 = arith.constant 0 : i32
      %dma_wait3A_145 = tpu.memref_slice %arg9[%run_scoped3A_115, %dma_wait3A_143, %dma_wait3A_144] : memref<8x128x16xf32, #tpu.memory_space<vmem>> -> memref<1x128x16xf32, #tpu.memory_space<vmem>>
      %dma_wait3A_146 = tpu.memref_squeeze %dma_wait3A_145 : memref<1x128x16xf32, #tpu.memory_space<vmem>> -> memref<128x16xf32, #tpu.memory_space<vmem>>
      %dma_wait3A_147 = arith.constant 0 : i32
      %dma_wait3A_148 = tpu.memref_slice %arg8[%run_scoped3A_116, %dma_wait3A_147] : memref<196x128xi32, #tpu.memory_space<vmem>> -> memref<1x128xi32, #tpu.memory_space<vmem>>
      %dma_wait3A_149 = tpu.memref_squeeze %dma_wait3A_148 : memref<1x128xi32, #tpu.memory_space<vmem>> -> memref<128xi32, #tpu.memory_space<vmem>>
      %dma_wait3A_150 = arith.constant 0 : i32
      %dma_wait3A_151 = arith.constant 0 : i32
      %dma_wait3A_152 = tpu.memref_slice %arg10[%dma_wait3A_150, %dma_wait3A_151] : memref<50048x16xf32, #tpu.memory_space<vmem_shared>> -> memref<50048x16xf32, #tpu.memory_space<vmem_shared>>
      tpu.wait_indirect_dma semaphore(%run_scoped3A_132 : memref<!tpu.dma_semaphore, #tpu.memory_space<semaphore_mem>>) src(%dma_wait3A_146 : memref<128x16xf32, #tpu.memory_space<vmem>>) dst(%dma_wait3A_152 : memref<50048x16xf32, #tpu.memory_space<vmem_shared>>)
      tpu.yield
    }) : () -> ()
    %dma_wait3A_117 = arith.constant 195 : i32
    %dma_wait3A_118 = arith.constant 3 : i32
    %dma_wait3A_119 = arith.constant 0 : i32
    %dma_wait3A_120 = arith.constant 0 : i32
    %dma_wait3A_121 = tpu.memref_slice %arg9[%dma_wait3A_118, %dma_wait3A_119, %dma_wait3A_120] : memref<8x128x16xf32, #tpu.memory_space<vmem>> -> memref<1x128x16xf32, #tpu.memory_space<vmem>>
    %dma_wait3A_122 = tpu.memref_squeeze %dma_wait3A_121 : memref<1x128x16xf32, #tpu.memory_space<vmem>> -> memref<128x16xf32, #tpu.memory_space<vmem>>
    %dma_wait3A_123 = arith.constant 0 : i32
    %dma_wait3A_124 = tpu.memref_slice %arg7[%dma_wait3A_117, %dma_wait3A_123] : memref<196x128xi32, #tpu.memory_space<vmem>> -> memref<1x128xi32, #tpu.memory_space<vmem>>
    %dma_wait3A_125 = tpu.memref_squeeze %dma_wait3A_124 : memref<1x128xi32, #tpu.memory_space<vmem>> -> memref<128xi32, #tpu.memory_space<vmem>>
    %dma_wait3A_126 = arith.constant 0 : i32
    %dma_wait3A_127 = arith.constant 0 : i32
    %dma_wait3A_128 = tpu.memref_slice %arg2[%dma_wait3A_126, %dma_wait3A_127] : memref<800000x16xf32, #tpu.memory_space<hbm>> -> memref<800000x16xf32, #tpu.memory_space<hbm>>
    tpu.wait_indirect_dma semaphore(%arg14 : memref<!tpu.dma_semaphore, #tpu.memory_space<semaphore_mem>>) src(%dma_wait3A_128 : memref<800000x16xf32, #tpu.memory_space<hbm>>) dst(%dma_wait3A_122 : memref<128x16xf32, #tpu.memory_space<vmem>>)
    %run_scoped3A_129 = arith.constant 3 : i32
    %run_scoped3A_130 = arith.constant 195 : i32
    "tpu.region"() ({
      %run_scoped3A_132 = tpu.sem_alloc : memref<!tpu.dma_semaphore, #tpu.memory_space<semaphore_mem>>
      %dma_start3A_133 = arith.constant 0 : i32
      %dma_start3A_134 = arith.constant 0 : i32
      %dma_start3A_135 = tpu.memref_slice %arg9[%run_scoped3A_129, %dma_start3A_133, %dma_start3A_134] : memref<8x128x16xf32, #tpu.memory_space<vmem>> -> memref<1x128x16xf32, #tpu.memory_space<vmem>>
      %dma_start3A_136 = tpu.memref_squeeze %dma_start3A_135 : memref<1x128x16xf32, #tpu.memory_space<vmem>> -> memref<128x16xf32, #tpu.memory_space<vmem>>
      %dma_start3A_137 = arith.constant 0 : i32
      %dma_start3A_138 = tpu.memref_slice %arg8[%run_scoped3A_130, %dma_start3A_137] : memref<196x128xi32, #tpu.memory_space<vmem>> -> memref<1x128xi32, #tpu.memory_space<vmem>>
      %dma_start3A_139 = tpu.memref_squeeze %dma_start3A_138 : memref<1x128xi32, #tpu.memory_space<vmem>> -> memref<128xi32, #tpu.memory_space<vmem>>
      %dma_start3A_140 = arith.constant 0 : i32
      %dma_start3A_141 = arith.constant 0 : i32
      %dma_start3A_142 = tpu.memref_slice %arg10[%dma_start3A_140, %dma_start3A_141] : memref<50048x16xf32, #tpu.memory_space<vmem_shared>> -> memref<50048x16xf32, #tpu.memory_space<vmem_shared>>
      tpu.enqueue_indirect_dma source(%dma_start3A_136 : memref<128x16xf32, #tpu.memory_space<vmem>>) target(%dma_start3A_142 : memref<50048x16xf32, #tpu.memory_space<vmem_shared>>) offsets(%dma_start3A_139 : memref<128xi32, #tpu.memory_space<vmem>>) semaphore(%run_scoped3A_132 : memref<!tpu.dma_semaphore, #tpu.memory_space<semaphore_mem>>) {add = true}
      %dma_wait3A_143 = arith.constant 0 : i32
      %dma_wait3A_144 = arith.constant 0 : i32
      %dma_wait3A_145 = tpu.memref_slice %arg9[%run_scoped3A_129, %dma_wait3A_143, %dma_wait3A_144] : memref<8x128x16xf32, #tpu.memory_space<vmem>> -> memref<1x128x16xf32, #tpu.memory_space<vmem>>
      %dma_wait3A_146 = tpu.memref_squeeze %dma_wait3A_145 : memref<1x128x16xf32, #tpu.memory_space<vmem>> -> memref<128x16xf32, #tpu.memory_space<vmem>>
      %dma_wait3A_147 = arith.constant 0 : i32
      %dma_wait3A_148 = tpu.memref_slice %arg8[%run_scoped3A_130, %dma_wait3A_147] : memref<196x128xi32, #tpu.memory_space<vmem>> -> memref<1x128xi32, #tpu.memory_space<vmem>>
      %dma_wait3A_149 = tpu.memref_squeeze %dma_wait3A_148 : memref<1x128xi32, #tpu.memory_space<vmem>> -> memref<128xi32, #tpu.memory_space<vmem>>
      %dma_wait3A_150 = arith.constant 0 : i32
      %dma_wait3A_151 = arith.constant 0 : i32
      %dma_wait3A_152 = tpu.memref_slice %arg10[%dma_wait3A_150, %dma_wait3A_151] : memref<50048x16xf32, #tpu.memory_space<vmem_shared>> -> memref<50048x16xf32, #tpu.memory_space<vmem_shared>>
      tpu.wait_indirect_dma semaphore(%run_scoped3A_132 : memref<!tpu.dma_semaphore, #tpu.memory_space<semaphore_mem>>) src(%dma_wait3A_146 : memref<128x16xf32, #tpu.memory_space<vmem>>) dst(%dma_wait3A_152 : memref<50048x16xf32, #tpu.memory_space<vmem_shared>>)
      tpu.yield
    }) : () -> ()
    %barrier3A_131 = arith.constant 0 : index
    tpu.barrier barrier_id(%barrier3A_131)
    "tpu.region"() ({
      %run_scoped3A_132 = tpu.sem_alloc : memref<!tpu.dma_semaphore, #tpu.memory_space<semaphore_mem>>
      %dma_start3A_133 = arith.constant 0 : i32
      %dma_start3A_134 = tpu.memref_slice %arg6[%arg0, %mul3A_8, %dma_start3A_133] : memref<2x50048x16xf32, #tpu.memory_space<hbm>> -> memref<1x3128x16xf32, #tpu.memory_space<hbm>>
      %dma_start3A_135 = tpu.memref_squeeze %dma_start3A_134 : memref<1x3128x16xf32, #tpu.memory_space<hbm>> -> memref<3128x16xf32, #tpu.memory_space<hbm>>
      %dma_start3A_136 = arith.constant 0 : i32
      %dma_start3A_137 = tpu.memref_slice %arg10[%mul3A_8, %dma_start3A_136] : memref<50048x16xf32, #tpu.memory_space<vmem_shared>> -> memref<3128x16xf32, #tpu.memory_space<vmem_shared>>
      tpu.enqueue_dma source(%dma_start3A_137 : memref<3128x16xf32, #tpu.memory_space<vmem_shared>>) target(%dma_start3A_135 : memref<3128x16xf32, #tpu.memory_space<hbm>>) target_semaphore(%run_scoped3A_132 : memref<!tpu.dma_semaphore, #tpu.memory_space<semaphore_mem>>)
      %dma_wait3A_138 = arith.constant 0 : i32
      %dma_wait3A_139 = tpu.memref_slice %arg6[%arg0, %mul3A_8, %dma_wait3A_138] : memref<2x50048x16xf32, #tpu.memory_space<hbm>> -> memref<1x3128x16xf32, #tpu.memory_space<hbm>>
      %dma_wait3A_140 = tpu.memref_squeeze %dma_wait3A_139 : memref<1x3128x16xf32, #tpu.memory_space<hbm>> -> memref<3128x16xf32, #tpu.memory_space<hbm>>
      %dma_wait3A_141 = arith.constant 0 : i32
      %dma_wait3A_142 = tpu.memref_slice %arg10[%mul3A_8, %dma_wait3A_141] : memref<50048x16xf32, #tpu.memory_space<vmem_shared>> -> memref<3128x16xf32, #tpu.memory_space<vmem_shared>>
      tpu.wait_dma2 semaphore(%run_scoped3A_132 : memref<!tpu.dma_semaphore, #tpu.memory_space<semaphore_mem>>) src(%dma_wait3A_142 : memref<3128x16xf32, #tpu.memory_space<vmem_shared>>) dst(%dma_wait3A_140 : memref<3128x16xf32, #tpu.memory_space<hbm>>)
      tpu.yield
    }) : () -> ()
    return
  }
}

module attributes {stable_mosaic.version = 14 : i64} {
  func.func @body(%arg0: i32, %arg1: memref<2000x16xf32, #tpu.memory_space<vmem>>, %arg2: memref<16x256xf32, #tpu.memory_space<vmem>>, %arg3: memref<2000x256xf32, #tpu.memory_space<vmem>>) attributes {dimension_semantics = [#tpu.dimension_semantics<arbitrary>], iteration_bounds = array<i64: 25>, scalar_prefetch = 0 : i64, scratch_operands = 0 : i64, tpu.core_type = #tpu.core_type<tc>, window_params = [{transform_indices = @transform_0, window_bounds = array<i64: 2000, 16>}, {pipeline_mode = #tpu.pipeline_mode<synchronous>, transform_indices = @transform_1, window_bounds = array<i64: 16, 256>}, {transform_indices = @transform_2, window_bounds = array<i64: 2000, 256>}]} {
    %get3A = arith.constant 0 : index
    %get3A_0 = arith.constant 0 : index
    %get3A_1 = vector.load %arg1[%get3A, %get3A_0] : memref<2000x16xf32, #tpu.memory_space<vmem>>, vector<2000x16xf32>
    %get3A_2 = arith.constant 0 : index
    %get3A_3 = arith.constant 0 : index
    %get3A_4 = vector.load %arg2[%get3A_2, %get3A_3] : memref<16x256xf32, #tpu.memory_space<vmem>>, vector<16x256xf32>
    %dot_general3A = arith.constant dense<0.000000e+00> : vector<2000x256xf32>
    %dot_general3A_5 = tpu.matmul %get3A_1, %get3A_4, %dot_general3A {dimension_numbers = #tpu.dot_dimension_numbers<[1], [0], [0], [1], [0, 0, 1, 1], [], []>, transpose_lhs_hint = false} : vector<2000x16xf32>, vector<16x256xf32>, vector<2000x256xf32> -> vector<2000x256xf32>
    %swap3A = arith.constant 0 : index
    %swap3A_6 = arith.constant 0 : index
    %swap3A_7 = vector.load %arg3[%swap3A, %swap3A_6] : memref<2000x256xf32, #tpu.memory_space<vmem>>, vector<2000x256xf32>
    tpu.vector_store %arg3[%swap3A, %swap3A_6], %dot_general3A_5 {strides = array<i32>} : memref<2000x256xf32, #tpu.memory_space<vmem>>, vector<2000x256xf32>,
    return
  }
  func.func @transform_0(%arg0: i32) -> (i32, i32) {
    %c0_i32 = arith.constant 0 : i32
    %c0_i32_0 = arith.constant 0 : i32
    return %arg0, %c0_i32 : i32, i32
  }
  func.func @transform_1(%arg0: i32) -> (i32, i32) {
    %c0_i32 = arith.constant 0 : i32
    %c0_i32_0 = arith.constant 0 : i32
    %c0_i32_1 = arith.constant 0 : i32
    return %c0_i32, %c0_i32_0 : i32, i32
  }
  func.func @transform_2(%arg0: i32) -> (i32, i32) {
    %c0_i32 = arith.constant 0 : i32
    %c0_i32_0 = arith.constant 0 : i32
    return %arg0, %c0_i32 : i32, i32
  }
}

module attributes {stable_mosaic.version = 14 : i64} {
  func.func @body(%arg0: i32, %arg1: memref<2000x16xf32, #tpu.memory_space<vmem>>, %arg2: memref<2000x16xf32, #tpu.memory_space<vmem>>, %arg3: memref<2000x16xf32, #tpu.memory_space<vmem>>, %arg4: memref<16x48xf32, #tpu.memory_space<vmem>>, %arg5: memref<16x48xf32, #tpu.memory_space<vmem>>, %arg6: memref<1x48xf32, #tpu.memory_space<vmem>>, %arg7: memref<1x48xf32, #tpu.memory_space<vmem>>, %arg8: memref<16x64xf32, #tpu.memory_space<vmem>>, %arg9: memref<1x64xf32, #tpu.memory_space<vmem>>, %arg10: memref<2000x64xf32, #tpu.memory_space<vmem>>) attributes {dimension_semantics = [#tpu.dimension_semantics<arbitrary>], iteration_bounds = array<i64: 25>, scalar_prefetch = 0 : i64, scratch_operands = 0 : i64, tpu.core_type = #tpu.core_type<tc>, window_params = [{transform_indices = @transform_0, window_bounds = array<i64: 2000, 16>}, {transform_indices = @transform_1, window_bounds = array<i64: 2000, 16>}, {transform_indices = @transform_2, window_bounds = array<i64: 2000, 16>}, {pipeline_mode = #tpu.pipeline_mode<synchronous>, transform_indices = @transform_3, window_bounds = array<i64: 16, 48>}, {pipeline_mode = #tpu.pipeline_mode<synchronous>, transform_indices = @transform_4, window_bounds = array<i64: 16, 48>}, {pipeline_mode = #tpu.pipeline_mode<synchronous>, transform_indices = @transform_5, window_bounds = array<i64: 1, 48>}, {pipeline_mode = #tpu.pipeline_mode<synchronous>, transform_indices = @transform_6, window_bounds = array<i64: 1, 48>}, {pipeline_mode = #tpu.pipeline_mode<synchronous>, transform_indices = @transform_7, window_bounds = array<i64: 16, 64>}, {pipeline_mode = #tpu.pipeline_mode<synchronous>, transform_indices = @transform_8, window_bounds = array<i64: 1, 64>}, {transform_indices = @transform_9, window_bounds = array<i64: 2000, 64>}]} {
    %get3A = arith.constant 0 : index
    %get3A_0 = arith.constant 0 : index
    %get3A_1 = vector.load %arg1[%get3A, %get3A_0] : memref<2000x16xf32, #tpu.memory_space<vmem>>, vector<2000x16xf32>
    %get3A_2 = arith.constant 0 : index
    %get3A_3 = arith.constant 0 : index
    %get3A_4 = vector.load %arg2[%get3A_2, %get3A_3] : memref<2000x16xf32, #tpu.memory_space<vmem>>, vector<2000x16xf32>
    %add3A = arith.addf %get3A_1, %get3A_4 : vector<2000x16xf32>
    %get3A_5 = arith.constant 0 : index
    %get3A_6 = arith.constant 0 : index
    %get3A_7 = vector.load %arg3[%get3A_5, %get3A_6] : memref<2000x16xf32, #tpu.memory_space<vmem>>, vector<2000x16xf32>
    %get3A_8 = arith.constant 0 : index
    %get3A_9 = arith.constant 0 : index
    %get3A_10 = vector.load %arg4[%get3A_8, %get3A_9] : memref<16x48xf32, #tpu.memory_space<vmem>>, vector<16x48xf32>
    %dot_general3A = arith.constant dense<0.000000e+00> : vector<2000x48xf32>
    %dot_general3A_11 = tpu.matmul %add3A, %get3A_10, %dot_general3A {dimension_numbers = #tpu.dot_dimension_numbers<[1], [0], [0], [1], [0, 0, 1, 1], [], []>, transpose_lhs_hint = false} : vector<2000x16xf32>, vector<16x48xf32>, vector<2000x48xf32> -> vector<2000x48xf32>
    %get3A_12 = arith.constant 0 : index
    %get3A_13 = arith.constant 0 : index
    %get3A_14 = vector.load %arg6[%get3A_12, %get3A_13] : memref<1x48xf32, #tpu.memory_space<vmem>>, vector<1x48xf32>
    %add3A_15 = vector.broadcast %get3A_14 : vector<1x48xf32> to vector<2000x48xf32>
    %add3A_16 = arith.addf %dot_general3A_11, %add3A_15 : vector<2000x48xf32>
    %get3A_17 = arith.constant 0 : index
    %get3A_18 = arith.constant 0 : index
    %get3A_19 = vector.load %arg5[%get3A_17, %get3A_18] : memref<16x48xf32, #tpu.memory_space<vmem>>, vector<16x48xf32>
    %dot_general3A_20 = arith.constant dense<0.000000e+00> : vector<2000x48xf32>
    %dot_general3A_21 = tpu.matmul %get3A_7, %get3A_19, %dot_general3A_20 {dimension_numbers = #tpu.dot_dimension_numbers<[1], [0], [0], [1], [0, 0, 1, 1], [], []>, transpose_lhs_hint = false} : vector<2000x16xf32>, vector<16x48xf32>, vector<2000x48xf32> -> vector<2000x48xf32>
    %get3A_22 = arith.constant 0 : index
    %get3A_23 = arith.constant 0 : index
    %get3A_24 = vector.load %arg7[%get3A_22, %get3A_23] : memref<1x48xf32, #tpu.memory_space<vmem>>, vector<1x48xf32>
    %add3A_25 = vector.broadcast %get3A_24 : vector<1x48xf32> to vector<2000x48xf32>
    %add3A_26 = arith.addf %dot_general3A_21, %add3A_25 : vector<2000x48xf32>
    %slice3A = vector.extract_strided_slice %add3A_16 {offsets = [0, 0], sizes = [2000, 16], strides = [1, 1]} : vector<2000x48xf32> to vector<2000x16xf32>
    %slice3A_27 = vector.extract_strided_slice %add3A_16 {offsets = [0, 16], sizes = [2000, 16], strides = [1, 1]} : vector<2000x48xf32> to vector<2000x16xf32>
    %slice3A_28 = vector.extract_strided_slice %add3A_16 {offsets = [0, 32], sizes = [2000, 16], strides = [1, 1]} : vector<2000x48xf32> to vector<2000x16xf32>
    %slice3A_29 = vector.extract_strided_slice %add3A_26 {offsets = [0, 0], sizes = [2000, 16], strides = [1, 1]} : vector<2000x48xf32> to vector<2000x16xf32>
    %slice3A_30 = vector.extract_strided_slice %add3A_26 {offsets = [0, 16], sizes = [2000, 16], strides = [1, 1]} : vector<2000x48xf32> to vector<2000x16xf32>
    %slice3A_31 = vector.extract_strided_slice %add3A_26 {offsets = [0, 32], sizes = [2000, 16], strides = [1, 1]} : vector<2000x48xf32> to vector<2000x16xf32>
    %add3A_32 = arith.addf %slice3A, %slice3A_29 : vector<2000x16xf32>
    %logistic3A = arith.negf %add3A_32 : vector<2000x16xf32>
    %logistic3A_33 = math.exp %logistic3A : vector<2000x16xf32>
    %logistic3A_34 = arith.constant 1.000000e+00 : f32
    %logistic3A_35 = vector.broadcast %logistic3A_34 : f32 to vector<2000x16xf32>
    %logistic3A_36 = arith.addf %logistic3A_35, %logistic3A_33 : vector<2000x16xf32>
    %logistic3A_37 = arith.divf %logistic3A_35, %logistic3A_36 : vector<2000x16xf32>
    %add3A_38 = arith.addf %slice3A_27, %slice3A_30 : vector<2000x16xf32>
    %logistic3A_39 = arith.negf %add3A_38 : vector<2000x16xf32>
    %logistic3A_40 = math.exp %logistic3A_39 : vector<2000x16xf32>
    %logistic3A_41 = arith.constant 1.000000e+00 : f32
    %logistic3A_42 = vector.broadcast %logistic3A_41 : f32 to vector<2000x16xf32>
    %logistic3A_43 = arith.addf %logistic3A_42, %logistic3A_40 : vector<2000x16xf32>
    %logistic3A_44 = arith.divf %logistic3A_42, %logistic3A_43 : vector<2000x16xf32>
    %mul3A = arith.mulf %logistic3A_37, %slice3A_31 : vector<2000x16xf32>
    %add3A_45 = arith.addf %slice3A_28, %mul3A : vector<2000x16xf32>
    %tanh3A = math.tanh %add3A_45 : vector<2000x16xf32>
    %sub3A = arith.constant 1.000000e+00 : f32
    %sub3A_46 = vector.broadcast %sub3A : f32 to vector<2000x16xf32>
    %sub3A_47 = arith.subf %sub3A_46, %logistic3A_44 : vector<2000x16xf32>
    %mul3A_48 = arith.mulf %sub3A_47, %tanh3A : vector<2000x16xf32>
    %mul3A_49 = arith.mulf %logistic3A_44, %get3A_7 : vector<2000x16xf32>
    %add3A_50 = arith.addf %mul3A_48, %mul3A_49 : vector<2000x16xf32>
    %get3A_51 = arith.constant 0 : index
    %get3A_52 = arith.constant 0 : index
    %get3A_53 = vector.load %arg8[%get3A_51, %get3A_52] : memref<16x64xf32, #tpu.memory_space<vmem>>, vector<16x64xf32>
    %dot_general3A_54 = arith.constant dense<0.000000e+00> : vector<2000x64xf32>
    %dot_general3A_55 = tpu.matmul %add3A_50, %get3A_53, %dot_general3A_54 {dimension_numbers = #tpu.dot_dimension_numbers<[1], [0], [0], [1], [0, 0, 1, 1], [], []>, transpose_lhs_hint = false} : vector<2000x16xf32>, vector<16x64xf32>, vector<2000x64xf32> -> vector<2000x64xf32>
    %get3A_56 = arith.constant 0 : index
    %get3A_57 = arith.constant 0 : index
    %get3A_58 = vector.load %arg9[%get3A_56, %get3A_57] : memref<1x64xf32, #tpu.memory_space<vmem>>, vector<1x64xf32>
    %add3A_59 = vector.broadcast %get3A_58 : vector<1x64xf32> to vector<2000x64xf32>
    %add3A_60 = arith.addf %dot_general3A_55, %add3A_59 : vector<2000x64xf32>
    %swap3A = arith.constant 0 : index
    %swap3A_61 = arith.constant 0 : index
    %swap3A_62 = vector.load %arg10[%swap3A, %swap3A_61] : memref<2000x64xf32, #tpu.memory_space<vmem>>, vector<2000x64xf32>
    tpu.vector_store %arg10[%swap3A, %swap3A_61], %add3A_60 {strides = array<i32>} : memref<2000x64xf32, #tpu.memory_space<vmem>>, vector<2000x64xf32>,
    return
  }
  func.func @transform_0(%arg0: i32) -> (i32, i32) {
    %c0_i32 = arith.constant 0 : i32
    %c0_i32_0 = arith.constant 0 : i32
    return %arg0, %c0_i32 : i32, i32
  }
  func.func @transform_1(%arg0: i32) -> (i32, i32) {
    %c0_i32 = arith.constant 0 : i32
    %c0_i32_0 = arith.constant 0 : i32
    return %arg0, %c0_i32 : i32, i32
  }
  func.func @transform_2(%arg0: i32) -> (i32, i32) {
    %c0_i32 = arith.constant 0 : i32
    %c0_i32_0 = arith.constant 0 : i32
    return %arg0, %c0_i32 : i32, i32
  }
  func.func @transform_3(%arg0: i32) -> (i32, i32) {
    %c0_i32 = arith.constant 0 : i32
    %c0_i32_0 = arith.constant 0 : i32
    %c0_i32_1 = arith.constant 0 : i32
    return %c0_i32, %c0_i32_0 : i32, i32
  }
  func.func @transform_4(%arg0: i32) -> (i32, i32) {
    %c0_i32 = arith.constant 0 : i32
    %c0_i32_0 = arith.constant 0 : i32
    %c0_i32_1 = arith.constant 0 : i32
    return %c0_i32, %c0_i32_0 : i32, i32
  }
  func.func @transform_5(%arg0: i32) -> (i32, i32) {
    %c0_i32 = arith.constant 0 : i32
    %c0_i32_0 = arith.constant 0 : i32
    %c0_i32_1 = arith.constant 0 : i32
    return %c0_i32, %c0_i32_0 : i32, i32
  }
  func.func @transform_6(%arg0: i32) -> (i32, i32) {
    %c0_i32 = arith.constant 0 : i32
    %c0_i32_0 = arith.constant 0 : i32
    %c0_i32_1 = arith.constant 0 : i32
    return %c0_i32, %c0_i32_0 : i32, i32
  }
  func.func @transform_7(%arg0: i32) -> (i32, i32) {
    %c0_i32 = arith.constant 0 : i32
    %c0_i32_0 = arith.constant 0 : i32
    %c0_i32_1 = arith.constant 0 : i32
    return %c0_i32, %c0_i32_0 : i32, i32
  }
  func.func @transform_8(%arg0: i32) -> (i32, i32) {
    %c0_i32 = arith.constant 0 : i32
    %c0_i32_0 = arith.constant 0 : i32
    %c0_i32_1 = arith.constant 0 : i32
    return %c0_i32, %c0_i32_0 : i32, i32
  }
  func.func @transform_9(%arg0: i32) -> (i32, i32) {
    %c0_i32 = arith.constant 0 : i32
    %c0_i32_0 = arith.constant 0 : i32
    return %arg0, %c0_i32 : i32, i32
  }
}

</mosaic_0001>

<sc_bundles>
// kernel: kernel.5.cloned.1.call-start
scs
__scs_entry_jumppad:
0x0: {  	(pc) =	sbr.rel $0x88, $3  }
0x1: {  	(tag) =	ssettag $0x0;
	lr =	simm.s32 $0x1  }
0x2: {  	[smem:$0x3F97] =	sst lr;
	_ =	strace $0xD0000000  }
0x3: {  	_ = 	snop  }
0x4: {  	_ = 	snop  }
0x5: {  	_ = 	snop  }
0x6: {  	_ = 	snop  }
0x7: {  	_ = 	snop  }
__scs_overlays_trampoline_lowered:
0x8: {  	[smem:$0x3FA6] =	sst s0  }
0x9: {  	[smem:$0x3FA7] =	sst s1  }
0xa: {  	[smem:$0x3FA8] =	sst s2  }
0xb: {  	[smem:$0x3FA9] =	sst s3  }
0xc: {  	[smem:$0x3FAA] =	sst s4  }
0xd: {  	[smem:$0x3FAB] =	sst s5  }
0xe: {  	[smem:$0x3FAC] =	sst s6  }
0xf: {  	[smem:$0x3FAD] =	sst s7  }
0x10: {  	[smem:$0x3FAE] =	sst s8  }
0x11: {  	[smem:$0x3FAF] =	sst s9;
	s0 =	simm.s32 @!p0 $0x0  }
0x12: {  	s1 =	sld [smem:$0x3F95];
	s0 =	simm.s32 @p0 $0x1  }
0x13: {  	[smem:$0x3FB0] =	sst s0;
	s0 =	simm.s32 @!p1 $0x0  }
0x14: {  	s2 =	sld [smem:$0x3F94];
	s0 =	simm.s32 @p1 $0x1  }
0x15: {  	[smem:$0x3FB1] =	sst s0;
	s0 =	simm.s32 @!p2 $0x0  }
0x16: {  	s3 =	sld [smem:$0x3FDB];
	s0 =	simm.s32 @p2 $0x1  }
0x17: {  	s4 =	simm.s32 $0x1BF5;
	[smem:$0x3FB3] =	sst s0  }
0x18: {  	s0 =	sld [smem:$0x3F96];
	_ =	swait.ge [sflag:s4], $0x0  }
0x19: {  	s7 =	sld [smem:$0x3F97]  }
0x1a: {  	s8 =	sadd.s32 $0xFFFFE003, lr  }
0x1b: {  	s9 =	sadd.s32 $0xFFFFFEF7, lr;
	s5 =	simm.s32 $0xFFFFFFFF;
	p2 =	slt.u32 s8, $0xFFFFF086  }
0x1c: {  	p1 =	slt.u32 s9, $0xF7A;
	s5 =	simm.s32 @!p2 $0x0  }
0x1d: {  	s5 =	simm.s32 @p1 $0x1;
	p0 =	seq.s32 s7, s2  }
0x1e: {  	s7 =	smul.u32 @!p0 $0xF7A, s2;
	p2 =	seq.s32 @!p0 s5, $0x0  }
0x1f: {  	s9 =	smul.u32 $0xF7A, s1;
	s8 =	simm.s32 @!p0 $0x1BF5;
	p2 =	por !p2, p0  }
0x20: {  	[sflag:s8] =	ssyncset.s32 @!p0 $0xFFFFF086;
	s6 =	sadd.s32 @!p0 s3, s7;
	s7 =	simm.s32 @!p0 $0x108  }
0x21: {  	s3 =	sadd.s32 s3, s9;
	s6 =	sadd.s32 @!p0 $0x88, s6;
	s7 =	simm.s32 @p2 $0x1082  }
0x22: {  	[simem:s7], [sflag:s8] =	dma.local @!p0 [hbm:s6], $0xF7A  }
0x23: {  	s9 =	sor.u32 $0xD0000000, s2;
	s6 =	simm.s32 $0x108;
	_ =	swait.ge @!p0 [sflag:s8], $0x0  }
0x24: {  	s3 =	sadd.s32 $0x88, s3;
	s6 =	simm.s32 @!p1 $0x1082;
	[sflag:s4] =	ssyncset.s32 $0xFFFFF086  }
0x25: {  	[simem:s6], [sflag:s4] =	dma.local [hbm:s3], $0xF7A  }
0x26: {  	[smem:$0x3F97] =	sst s1;
	(tag) =	ssettag s2;
	_ =	strace s9  }
0x27: {  	s1 =	sld [smem:$0x3FA7]  }
0x28: {  	s2 =	sld [smem:$0x3FA8]  }
0x29: {  	s4 =	sld [smem:$0x3FAA]  }
0x2a: {  	p0 =	seq.s32 s5, $0x0;
	s5 =	sld [smem:$0x3FAB]  }
0x2b: {  	s6 =	sld [smem:$0x3FAC]  }
0x2c: {  	s7 =	sld [smem:$0x3FAD]  }
0x2d: {  	s3 =	simm.s32 $0x108;
	s8 =	sld [smem:$0x3FAE]  }
0x2e: {  	s3 =	simm.s32 @!p0 $0x1082;
	s9 =	sld [smem:$0x3FAF]  }
0x2f: {  	lr =	sadd.s32 s0, s3;
	s0 =	sld [smem:$0x3FA6]  }
0x30: {  	s3 =	sld [smem:$0x3FA9]  }
0x31: {  	[smem:$0x3FB2] =	sst s10  }
0x32: {  	s10 =	sld [smem:$0x3FB0];
	_ =	sdelay $0x3  }
0x33: {  	p0 =	seq.s32 s10, $0x1;
	s10 =	sld [smem:$0x3FB2];
	_ =	sdelay $0x3  }
0x34: {  	[smem:$0x3FB2] =	sst s10  }
0x35: {  	s10 =	sld [smem:$0x3FB1];
	_ =	sdelay $0x3  }
0x36: {  	p1 =	seq.s32 s10, $0x1;
	s10 =	sld [smem:$0x3FB2];
	_ =	sdelay $0x3  }
0x37: {  	[smem:$0x3FB2] =	sst s10  }
0x38: {  	s10 =	sld [smem:$0x3FB3]  }
0x39: {  	_ = 	snop;
	(pc) =	sbr.ind lr, $3  }
0x3a: {  	_ = 	snop  }
0x3b: {  	_ = 	snop  }
0x3c: {  	p2 =	seq.s32 s10, $0x1;
	s10 =	sld [smem:$0x3FB2]  }
0x3d: {  	_ =	shalt  }
0x3e: {  	_ =	shalt  }
0x3f: {  	_ =	shalt  }
0x40: {  	_ =	shalt  }
0x41: {  	_ =	shalt  }
0x42: {  	_ =	shalt  }
0x43: {  	_ =	shalt  }
0x44: {  	_ =	shalt  }
0x45: {  	_ =	shalt  }
0x46: {  	_ =	shalt  }
0x47: {  	_ =	shalt  }
0x48: {  	_ =	shalt  }
0x49: {  	_ =	shalt  }
0x4a: {  	_ =	shalt  }
0x4b: {  	_ =	shalt  }
0x4c: {  	_ =	shalt  }
0x4d: {  	_ =	shalt  }
0x4e: {  	_ =	shalt  }
0x4f: {  	_ =	shalt  }
0x50: {  	_ =	shalt  }
0x51: {  	_ =	shalt  }
0x52: {  	_ =	shalt  }
0x53: {  	_ =	shalt  }
0x54: {  	_ =	shalt  }
0x55: {  	_ =	shalt  }
0x56: {  	_ =	shalt  }
0x57: {  	_ =	shalt  }
0x58: {  	_ =	shalt  }
0x59: {  	_ =	shalt  }
0x5a: {  	_ =	shalt  }
0x5b: {  	_ =	shalt  }
0x5c: {  	_ =	shalt  }
0x5d: {  	_ =	shalt  }
0x5e: {  	_ =	shalt  }
0x5f: {  	_ =	shalt  }
0x60: {  	_ =	shalt  }
0x61: {  	_ =	shalt  }
0x62: {  	_ =	shalt  }
0x63: {  	_ =	shalt  }
0x64: {  	_ =	shalt  }
0x65: {  	_ =	shalt  }
0x66: {  	_ =	shalt  }
0x67: {  	_ =	shalt  }
0x68: {  	_ =	shalt  }
0x69: {  	_ =	shalt  }
0x6a: {  	_ =	shalt  }
0x6b: {  	_ =	shalt  }
0x6c: {  	_ =	shalt  }
0x6d: {  	_ =	shalt  }
0x6e: {  	_ =	shalt  }
0x6f: {  	_ =	shalt  }
0x70: {  	_ =	shalt  }
0x71: {  	_ =	shalt  }
0x72: {  	_ =	shalt  }
0x73: {  	_ =	shalt  }
0x74: {  	_ =	shalt  }
0x75: {  	_ =	shalt  }
0x76: {  	_ =	shalt  }
0x77: {  	_ =	shalt  }
0x78: {  	_ =	shalt  }
0x79: {  	_ =	shalt  }
0x7a: {  	_ =	shalt  }
0x7b: {  	_ =	shalt  }
0x7c: {  	_ =	shalt  }
0x7d: {  	_ =	shalt  }
0x7e: {  	_ =	shalt  }
0x7f: {  	_ =	shalt  }
0x80: {  	_ =	shalt  }
0x81: {  	_ =	shalt  }
0x82: {  	_ =	shalt  }
0x83: {  	_ =	shalt  }
0x84: {  	_ =	shalt  }
0x85: {  	_ =	shalt  }
0x86: {  	_ =	shalt  }
0x87: {  	_ =	shalt  }
.Lfunc_end0:
.L_simem_size_0:
called_computation.1_lowered:
.L_overlay_start_0:
0x88: {  	s2 =	sld [smem:$0x3FD9]  }
0x89: {  	s3 =	sld [smem:$0x3FFE];
	_ =	sdelay $0x1  }
0x8a: {  	s1 =	srdreg.scid  }
0x8b: {  	s0 =	sand.u32 $0x1, s1  }
0x8c: {  	s17 =	sshll.u32 s0, $0xA;
	s2 =	sadd.s32 s3, s2  }
0x8d: {  	s2 =	sadd.s32 s2, s17  }
0x8e: {  	[smem:$0x3FBE] =	sst s2  }
0x8f: {  	_ = 	snop  }
0x90: {  	s2 =	sld [smem:$0x3FD0];
	(tm) =	ssettm $0x1  }
0x91: {  	s18 =	sld [smem:$0x3FFB];
	_ =	sdelay $0x3  }
0x92: {  	_ =	strace s18  }
0x93: {  	s3 =	sld [smem:$0x3FFC];
	_ =	sdelay $0x3  }
0x94: {  	_ =	strace s3  }
0x95: {  	s3 =	sld [smem:$0x3FFD];
	_ =	sdelay $0x3  }
0x96: {  	_ =	strace s3  }
0x97: {  	_ =	strace $0x8FFFFFFF  }
0x98: {  	s19 =	sld [smem:$0x3FDB];
	_ =	sdelay $0x1  }
0x99: {  	s4 =	simm.s32 $_scs_section_size  }
0x9a: {  	s5 =	simm.s32 $_size__tile_overlayer_lowered;
	s6 =	simm.s32 $_tile_overlayer_lowered  }
0x9b: {  	s22 =	simm.s32 $0x1BFF;
	s21 =	sshll.u32 s6, $0x1;
	s3 =	sadd.s32 s4, s19  }
0x9c: {  	s7 =	simm.s32 $0x0;
	s20 =	sshll.u32 s5, $0x1;
	s5 =	sadd.s32 s21, s3  }
0x9d: {  	[timem:s7], [sflag:s22] =	dma.local [hbm:s5], s20  }
0x9e: {  	_ =	swait.ge [sflag:s22], s20  }
0x9f: {  	s4 =	ssub.s32 $0x0, s20;
	[sflag:s22] =	ssyncset.done $0x0  }
0xa0: {  	[sflag:s22] =	ssyncadd.s32 s4;
	_ =	sdelay $0x1  }
0xa1: {  	s23 =	simm.s32 $0x1B8B  }
0xa2: {  	_ =	swait.ge [sflag:s23], $0x1  }
0xa3: {  	[sflag:s23] =	ssyncset.done $0x0  }
0xa4: {  	s25 =	simm.s32 $0x1B8E;
	s24 =	sld [smem:$0x3FFE];
	[sflag:s23] =	ssyncadd.s32 $0xFFFFFFFF  }
0xa5: {  	s26 =	simm.s32 $execute0_lowered;
	[smem:$0x3FD2] =	sst s25  }
0xa6: {  	s5 =	sshll.u32 s26, $0x1;
	_ =	strace $0x80000049;
	[dreg:$0x1] =	wrdreg $0xFFFFFFFF  }
0xa7: {  	s28 =	simm.s32 $_size_execute0_lowered;
	s3 =	sadd.s32 s3, s5;
	[dreg:$0x0] =	wrdreg $0x0  }
0xa8: {  	s5 =	sshll.u32 s28, $0x1;
	[dreg:$0x2] =	wrdreg s3  }
0xa9: {  	[dreg:$0x3] =	wrdreg s5  }
0xaa: {  	[dreg:$0x4] =	wrdreg $0xC0  }
0xab: {  	_ =	task [dreg:s7], $0x5FFFF  }
0xac: {  	[dreg:$0x1] =	wrdreg $0xFFFFFFFF  }
0xad: {  	[dreg:$0x0] =	wrdreg $0x60  }
0xae: {  	[dreg:$0x2] =	wrdreg s24  }
0xaf: {  	[dreg:$0x3] =	wrdreg s2  }
0xb0: {  	[dreg:$0x4] =	wrdreg $0x104000  }
0xb1: {  	[dreg:$0x5] =	wrdreg $0x9  }
0xb2: {  	_ =	task.clear_ibuf [dreg:s7], $0x6FFFF;
	_ =	strace $0x90000049  }
0xb3: {  	s29 =	simm.s32 $0x9;
	_ =	strace $0x8000004B  }
0xb4: {  	_ =	swait.ge [sflag:s29], $0x1  }
0xb5: {  	[sflag:s29] =	ssyncadd.s32 $0xFFFFFFFF  }
0xb6: {  	_ =	strace $0x9000004B  }
0xb7: {  	_ =	sfence  }
0xb8: {  	s30 =	sld [smem:$0x0];
	_ =	sdelay $0x2  }
0xb9: {  	s31 =	sshll.u32 s1, $0xD;
	s1 =	sshrl.u32 s1, $0x2  }
0xba: {  	s3 =	sand.u32 $0x4000, s31;
	s1 =	sadd.s32 s1, s30  }
0xbb: {  	s0 =	sor.u32 s3, s0;
	s1 =	sshll.u32 s1, $0x11  }
0xbc: {  	s0 =	sor.u32 s1, s0  }
0xbd: {  	s0 =	sadd.s32 $0x8F2B, s0  }
0xbe: {  	[sflag:s0] =	ssyncadd.remote.s32 $0x1  }
0xbf: {  	_ =	sfence.sel $0xFFFF  }
0xc0: {  	[dreg:$0x0] =	wrdreg $0xFFFFFFFF;
	(pc) =	sbr.abs _section_cstart, $3  }
0xc1: {  	[dreg:$0x1] =	wrdreg $0xFFFFFFFF  }
0xc2: {  	_ =	task.clear_ibuf [dreg:s7], $0x2FFFF;
	_ =	strace $0x9FFFFFFF  }
0xc3: {  	(tm) =	ssettm $0x7FFFFFFF  }
tec
execute0_lowered:
.L_overlay_start_1:
0x0: {  	(tag) =	ssettag $0x1  }
0x1: {  	s0 =	rddreg [dreg:$0x0]  }
0x2: {  	s1 =	rddreg [dreg:$0x1];
	s3 =	srdreg.scid  }
0x3: {  	s10 =	stileid.u32;
	s2 =	rddreg [dreg:$0x2];
	s5 =	sand.u32 $0x1, s3  }
0x4: {  	s4 =	sshll.u32 s10, $0x1;
	s3 =	simm.s32 $0x0;
	s7 =	smul.u32 $0x30E00, s10  }
0x5: {  	s10 =	smul.u32 $0xC380, s10;
	s4 =	sor.u32 s5, s4;
	[smem:$0x7FF] =	sst s3  }
0x6: {  	s8 =	ssub.s32 $0x2, s5;
	s9 =	smul.u32 $0xC3800, s5;
	s7 =	sshrl.u32 s7, $0x2  }
0x7: {  	_ =	strace $0x8000004A;
	s24 =	sshrl.u32 s8, $0x1;
	s5 =	sadd.s32 s7, s2  }
0x8: {  	s25 =	ssub.s32 s8, s24;
	s29 =	sadd.s32 s10, s9;
	s7 =	sadd.s32 $0xC000, s5  }
0x9: {  	s9 =	sadd.s32 s10, s2;
	s10 =	smax.u32 s25, $0x1;
	[dreg:$0x4] =	wrdreg s7  }
0xa: {  	s11 =	sadd.s32 $0x800, s5;
	[dreg:$0x9] =	wrdreg s10  }
0xb: {  	s12 =	sadd.s32 $0x1000, s5;
	[dreg:$0xa] =	wrdreg s11  }
0xc: {  	s13 =	sadd.s32 $0x1800, s5;
	[dreg:$0xb] =	wrdreg s12  }
0xd: {  	s14 =	sadd.s32 $0x2000, s5;
	[dreg:$0xc] =	wrdreg s13  }
0xe: {  	s15 =	sadd.s32 $0x2800, s5;
	[dreg:$0xd] =	wrdreg s14  }
0xf: {  	s16 =	sadd.s32 $0x3000, s5;
	[dreg:$0xe] =	wrdreg s15  }
0x10: {  	s31 =	simm.s32 $0x6200;
	s17 =	sadd.s32 $0x3800, s5;
	[dreg:$0xf] =	wrdreg s16  }
0x11: {  	s28 =	simm.s32 $0x8;
	s18 =	sadd.s32 $0x4000, s5;
	[dreg:$0x10] =	wrdreg s17  }
0x12: {  	s6 =	smul.u32 $0xC40, s4;
	s19 =	sadd.s32 $0x4800, s5;
	[dreg:$0x11] =	wrdreg s18  }
0x13: {  	s4 =	sadd.s32 $0x24BA00, s0;
	s20 =	sadd.s32 $0x5000, s5;
	[dreg:$0x12] =	wrdreg s19  }
0x14: {  	s0 =	sadd.s32 s6, s0;
	s21 =	sadd.s32 $0x5800, s5;
	[dreg:$0x13] =	wrdreg s20  }
0x15: {  	s8 =	sshrl.u32 s29, $0x3;
	s22 =	sadd.s32 $0x6000, s5;
	[dreg:$0x14] =	wrdreg s21  }
0x16: {  	s23 =	sadd.s32 $0x6800, s5;
	s24 =	sadd.s32 $0x7000, s5;
	[dreg:$0x15] =	wrdreg s22  }
0x17: {  	s25 =	sadd.s32 $0x7800, s5;
	s29 =	sadd.s32 $0x8800, s5;
	[dreg:$0x16] =	wrdreg s23  }
0x18: {  	s6 =	sadd.s32 $0xA800, s5;
	s26 =	sadd.s32 $0x3D2400, s0;
	[dreg:$0x18] =	wrdreg s24  }
0x19: {  	s30 =	sadd.s32 $0x3EAC00, s0;
	s0 =	sadd.s32 $0x403400, s0;
	[dreg:$0x19] =	wrdreg s25  }
0x1a: {  	[dreg:$0x1b] =	wrdreg s29;
	s7 =	sadd.s32 $0xB000, s5;
	s10 =	simm.s32 $0x9  }
0x1b: {  	s12 =	simm.s32 $0x80;
	s13 =	simm.s32 $0xCC00;
	s14 =	simm.s32 $0xD400  }
0x1c: {  	s15 =	simm.s32 $0xDC00;
	s16 =	simm.s32 $0xE400;
	s17 =	simm.s32 $0xEC00  }
0x1d: {  	s18 =	simm.s32 $0xF400;
	s19 =	simm.s32 $0xFC00;
	s20 =	simm.s32 $0x1  }
0x1e: {  	s21 =	simm.s32 $0x2;
	s22 =	simm.s32 $0x3;
	[dreg:$0x5] =	wrdreg s26  }
0x1f: {  	s23 =	simm.s32 $0x4;
	s24 =	simm.s32 $0x5;
	[dreg:$0x6] =	wrdreg s30  }
0x20: {  	s25 =	simm.s32 $0x6;
	[dreg:$0x7] =	wrdreg s0;
	s0 =	sadd.s32 s1, s8  }
0x21: {  	s26 =	sadd.s32 $0x8000, s5;
	s30 =	sadd.s32 $0x9000, s5;
	[dreg:$0x8] =	wrdreg s0  }
0x22: {  	s1 =	sadd.s32 $0x9800, s5;
	s8 =	sadd.s32 $0xB800, s5;
	[dreg:$0x1a] =	wrdreg s26  }
0x23: {  	s0 =	sshrl.u32 s9, $0x3;
	[dreg:$0x1c] =	wrdreg s30;
	s9 =	simm.s32 $0xC400  }
0x24: {  	v0 =	vimm.f32 $0.0e+00;
	s26 =	simm.s32 $0x7;
	[dreg:$0x17] =	wrdreg s0;
	s0 =	sadd.s32 $0xA000, s5  }
.LBB2_1:
0x25: {  	s11 =	simm.s32 $0x40;
	s29 =	simm.s32 $0x0  }
.LBB2_2:
0x26: {  	p0 =	sne.s32 s11, $0x1FC0;
	[tilespmem:s29+$0xC400] =	vst v0;
	s29 =	smov.u32 s11;
	s11 =	sadd.s32 $0x40, s11  }
.Ltmp0:
0x27: {  	(pc) =	sbr.rel @p0 .LBB2_2-.Ltmp0, $2  }
0x28: {  	_ =	sdelay $0x2  }
0x29: {  	s29 =	sshra.s32 s29, $0x2  }
0x2a: {  	[tilespmem:s29+$0xC400] =	vst v0  }
0x2b: {  	[spmem:s5] =	stream.linear.scatter [tilespmem:s9], [sflag:$0x9], $0x800, $0x38;
	[tilespmem:$0x1C780] =	vst v63  }
0x2c: {  	_ =	swait.ge [sflag:s10], $0x800  }
0x2d: {  	[sflag:s10] =	ssyncset.done $0x0  }
0x2e: {  	s11 =	rddreg [dreg:$0xa];
	[sflag:s10] =	ssyncadd.s32 $0xFFFFF800  }
0x2f: {  	[spmem:s11] =	stream.linear.scatter [tilespmem:s9], [sflag:$0x9], $0x800, $0x38;
	[tilespmem:$0x1C780] =	vst v63  }
0x30: {  	_ =	swait.ge [sflag:s10], $0x800  }
0x31: {  	[sflag:s10] =	ssyncset.done $0x0  }
0x32: {  	s30 =	rddreg [dreg:$0xb];
	[sflag:s10] =	ssyncadd.s32 $0xFFFFF800  }
0x33: {  	[spmem:s30] =	stream.linear.scatter [tilespmem:s9], [sflag:$0x9], $0x800, $0x38;
	[tilespmem:$0x1C780] =	vst v63  }
0x34: {  	_ =	swait.ge [sflag:s10], $0x800  }
0x35: {  	[sflag:s10] =	ssyncset.done $0x0  }
0x36: {  	s30 =	rddreg [dreg:$0xc];
	[sflag:s10] =	ssyncadd.s32 $0xFFFFF800  }
0x37: {  	[spmem:s30] =	stream.linear.scatter [tilespmem:s9], [sflag:$0x9], $0x800, $0x38;
	[tilespmem:$0x1C780] =	vst v63  }
0x38: {  	_ =	swait.ge [sflag:s10], $0x800  }
0x39: {  	[sflag:s10] =	ssyncset.done $0x0  }
0x3a: {  	s30 =	rddreg [dreg:$0xd];
	[sflag:s10] =	ssyncadd.s32 $0xFFFFF800  }
0x3b: {  	[spmem:s30] =	stream.linear.scatter [tilespmem:s9], [sflag:$0x9], $0x800, $0x38;
	[tilespmem:$0x1C780] =	vst v63  }
0x3c: {  	_ =	swait.ge [sflag:s10], $0x800  }
0x3d: {  	[sflag:s10] =	ssyncset.done $0x0  }
0x3e: {  	s30 =	rddreg [dreg:$0xe];
	[sflag:s10] =	ssyncadd.s32 $0xFFFFF800  }
0x3f: {  	[spmem:s30] =	stream.linear.scatter [tilespmem:s9], [sflag:$0x9], $0x800, $0x38;
	[tilespmem:$0x1C780] =	vst v63  }
0x40: {  	_ =	swait.ge [sflag:s10], $0x800  }
0x41: {  	[sflag:s10] =	ssyncset.done $0x0  }
0x42: {  	s30 =	rddreg [dreg:$0xf];
	[sflag:s10] =	ssyncadd.s32 $0xFFFFF800  }
0x43: {  	[spmem:s30] =	stream.linear.scatter [tilespmem:s9], [sflag:$0x9], $0x800, $0x38;
	[tilespmem:$0x1C780] =	vst v63  }
0x44: {  	_ =	swait.ge [sflag:s10], $0x800  }
0x45: {  	[sflag:s10] =	ssyncset.done $0x0  }
0x46: {  	s30 =	rddreg [dreg:$0x10];
	[sflag:s10] =	ssyncadd.s32 $0xFFFFF800  }
0x47: {  	[spmem:s30] =	stream.linear.scatter [tilespmem:s9], [sflag:$0x9], $0x800, $0x38;
	[tilespmem:$0x1C780] =	vst v63  }
0x48: {  	_ =	swait.ge [sflag:s10], $0x800  }
0x49: {  	[sflag:s10] =	ssyncset.done $0x0  }
0x4a: {  	s30 =	rddreg [dreg:$0x11];
	[sflag:s10] =	ssyncadd.s32 $0xFFFFF800  }
0x4b: {  	[spmem:s30] =	stream.linear.scatter [tilespmem:s9], [sflag:$0x9], $0x800, $0x38;
	[tilespmem:$0x1C780] =	vst v63  }
0x4c: {  	_ =	swait.ge [sflag:s10], $0x800  }
0x4d: {  	[sflag:s10] =	ssyncset.done $0x0  }
0x4e: {  	s30 =	rddreg [dreg:$0x12];
	[sflag:s10] =	ssyncadd.s32 $0xFFFFF800  }
0x4f: {  	[spmem:s30] =	stream.linear.scatter [tilespmem:s9], [sflag:$0x9], $0x800, $0x38;
	[tilespmem:$0x1C780] =	vst v63  }
0x50: {  	_ =	swait.ge [sflag:s10], $0x800  }
0x51: {  	[sflag:s10] =	ssyncset.done $0x0  }
0x52: {  	s30 =	rddreg [dreg:$0x13];
	[sflag:s10] =	ssyncadd.s32 $0xFFFFF800  }
0x53: {  	[spmem:s30] =	stream.linear.scatter [tilespmem:s9], [sflag:$0x9], $0x800, $0x38;
	[tilespmem:$0x1C780] =	vst v63  }
0x54: {  	_ =	swait.ge [sflag:s10], $0x800  }
0x55: {  	[sflag:s10] =	ssyncset.done $0x0  }
0x56: {  	s30 =	rddreg [dreg:$0x14];
	[sflag:s10] =	ssyncadd.s32 $0xFFFFF800  }
0x57: {  	[spmem:s30] =	stream.linear.scatter [tilespmem:s9], [sflag:$0x9], $0x800, $0x38;
	[tilespmem:$0x1C780] =	vst v63  }
0x58: {  	_ =	swait.ge [sflag:s10], $0x800  }
0x59: {  	[sflag:s10] =	ssyncset.done $0x0  }
0x5a: {  	s30 =	rddreg [dreg:$0x15];
	[sflag:s10] =	ssyncadd.s32 $0xFFFFF800  }
0x5b: {  	[spmem:s30] =	stream.linear.scatter [tilespmem:s9], [sflag:$0x9], $0x800, $0x38;
	[tilespmem:$0x1C780] =	vst v63  }
0x5c: {  	_ =	swait.ge [sflag:s10], $0x800  }
0x5d: {  	[sflag:s10] =	ssyncset.done $0x0  }
0x5e: {  	s30 =	rddreg [dreg:$0x16];
	[sflag:s10] =	ssyncadd.s32 $0xFFFFF800  }
0x5f: {  	[spmem:s30] =	stream.linear.scatter [tilespmem:s9], [sflag:$0x9], $0x800, $0x38;
	[tilespmem:$0x1C780] =	vst v63  }
0x60: {  	_ =	swait.ge [sflag:s10], $0x800  }
0x61: {  	[sflag:s10] =	ssyncset.done $0x0  }
0x62: {  	s30 =	rddreg [dreg:$0x18];
	[sflag:s10] =	ssyncadd.s32 $0xFFFFF800  }
0x63: {  	[spmem:s30] =	stream.linear.scatter [tilespmem:s9], [sflag:$0x9], $0x800, $0x38;
	[tilespmem:$0x1C780] =	vst v63  }
0x64: {  	_ =	swait.ge [sflag:s10], $0x800  }
0x65: {  	[sflag:s10] =	ssyncset.done $0x0  }
0x66: {  	s30 =	rddreg [dreg:$0x19];
	[sflag:s10] =	ssyncadd.s32 $0xFFFFF800  }
0x67: {  	[spmem:s30] =	stream.linear.scatter [tilespmem:s9], [sflag:$0x9], $0x800, $0x38;
	[tilespmem:$0x1C780] =	vst v63  }
0x68: {  	_ =	swait.ge [sflag:s10], $0x800  }
0x69: {  	[sflag:s10] =	ssyncset.done $0x0  }
0x6a: {  	s30 =	rddreg [dreg:$0x1a];
	[sflag:s10] =	ssyncadd.s32 $0xFFFFF800  }
0x6b: {  	[spmem:s30] =	stream.linear.scatter [tilespmem:s9], [sflag:$0x9], $0x800, $0x38;
	[tilespmem:$0x1C780] =	vst v63  }
0x6c: {  	_ =	swait.ge [sflag:s10], $0x800  }
0x6d: {  	[sflag:s10] =	ssyncset.done $0x0  }
0x6e: {  	s30 =	rddreg [dreg:$0x1b];
	[sflag:s10] =	ssyncadd.s32 $0xFFFFF800  }
0x6f: {  	[spmem:s30] =	stream.linear.scatter [tilespmem:s9], [sflag:$0x9], $0x800, $0x38;
	[tilespmem:$0x1C780] =	vst v63  }
0x70: {  	_ =	swait.ge [sflag:s10], $0x800  }
0x71: {  	[sflag:s10] =	ssyncset.done $0x0  }
0x72: {  	s30 =	rddreg [dreg:$0x1c];
	[sflag:s10] =	ssyncadd.s32 $0xFFFFF800  }
0x73: {  	[spmem:s30] =	stream.linear.scatter [tilespmem:s9], [sflag:$0x9], $0x800, $0x38;
	[tilespmem:$0x1C780] =	vst v63  }
0x74: {  	_ =	swait.ge [sflag:s10], $0x800  }
0x75: {  	[sflag:s10] =	ssyncset.done $0x0  }
0x76: {  	[sflag:s10] =	ssyncadd.s32 $0xFFFFF800  }
0x77: {  	[spmem:s1] =	stream.linear.scatter [tilespmem:s9], [sflag:$0x9], $0x800, $0x38;
	[tilespmem:$0x1C780] =	vst v63  }
0x78: {  	_ =	swait.ge [sflag:s10], $0x800  }
0x79: {  	[sflag:s10] =	ssyncset.done $0x0  }
0x7a: {  	[sflag:s10] =	ssyncadd.s32 $0xFFFFF800  }
0x7b: {  	[spmem:s0] =	stream.linear.scatter [tilespmem:s9], [sflag:$0x9], $0x800, $0x38;
	[tilespmem:$0x1C780] =	vst v63  }
0x7c: {  	_ =	swait.ge [sflag:s10], $0x800  }
0x7d: {  	[sflag:s10] =	ssyncset.done $0x0  }
0x7e: {  	[sflag:s10] =	ssyncadd.s32 $0xFFFFF800  }
0x7f: {  	[spmem:s6] =	stream.linear.scatter [tilespmem:s9], [sflag:$0x9], $0x800, $0x38;
	[tilespmem:$0x1C780] =	vst v63  }
0x80: {  	_ =	swait.ge [sflag:s10], $0x800  }
0x81: {  	[sflag:s10] =	ssyncset.done $0x0  }
0x82: {  	[sflag:s10] =	ssyncadd.s32 $0xFFFFF800  }
0x83: {  	[spmem:s7] =	stream.linear.scatter [tilespmem:s9], [sflag:$0x9], $0x800, $0x38;
	[tilespmem:$0x1C780] =	vst v63  }
0x84: {  	_ =	swait.ge [sflag:s10], $0x800  }
0x85: {  	[sflag:s10] =	ssyncset.done $0x0  }
0x86: {  	[sflag:s10] =	ssyncadd.s32 $0xFFFFF800  }
0x87: {  	[spmem:s8] =	stream.linear.scatter [tilespmem:s9], [sflag:$0x9], $0x800, $0x38;
	[tilespmem:$0x1C780] =	vst v63  }
0x88: {  	_ =	swait.ge [sflag:s10], $0x800  }
0x89: {  	[sflag:s10] =	ssyncset.done $0x0  }
0x8a: {  	s30 =	rddreg [dreg:$0x4];
	[sflag:s10] =	ssyncadd.s32 $0xFFFFF800  }
0x8b: {  	[spmem:s30] =	stream.linear.scatter [tilespmem:s9], [sflag:$0x9], $0x380, $0x38;
	[tilespmem:$0x1C780] =	vst v63  }
0x8c: {  	_ =	swait.ge [sflag:s10], $0x380  }
0x8d: {  	[sflag:s10] =	ssyncset.done $0x0  }
0x8e: {  	[sflag:s10] =	ssyncadd.s32 $0xFFFFFC80  }
0x8f: {  	[bflag:$0x0] =	sbarrier.arrive $0xFFFF  }
0x90: {  	s30 =	simm.s32 $0x0;
	s29 =	rddreg [dreg:$0x5]  }
0x91: {  	[tilespmem:s30], [sflag:$0x9] =	stream.linear.gather [hbm4b:s29+s30], $0x6200, $0x38;
	[tilespmem:$0x1C780] =	vst v63  }
0x92: {  	_ =	swait.ge [sflag:s10], $0x6200  }
0x93: {  	[sflag:s10] =	ssyncset.done $0x0  }
0x94: {  	s29 =	rddreg [dreg:$0x6];
	[sflag:s10] =	ssyncadd.s32 $0xFFFF9E00  }
0x95: {  	[tilespmem:s31], [sflag:$0x9] =	stream.linear.gather [hbm4b:s29+s30], $0x6200, $0x38;
	[tilespmem:$0x1C780] =	vst v63  }
0x96: {  	_ =	swait.ge [sflag:s10], $0x6200  }
0x97: {  	[sflag:s10] =	ssyncset.done $0x0  }
0x98: {  	s11 =	simm.s32 $0x0;
	[sflag:s10] =	ssyncadd.s32 $0xFFFF9E00  }
0x99: {  	v7 =	vld [tilespmem:s11+$0x6200]  }
0x9a: {  	v6 =	vld [tilespmem:s11+$0x6210]  }
0x9b: {  	v5 =	vld [tilespmem:s11+$0x6220]  }
0x9c: {  	v4 =	vld [tilespmem:s11+$0x6230]  }
0x9d: {  	v3 =	vld [tilespmem:s11+$0x6240]  }
0x9e: {  	v2 =	vld [tilespmem:s11+$0x6250]  }
0x9f: {  	v1 =	vld [tilespmem:s11+$0x6260]  }
0xa0: {  	v8 =	vld [tilespmem:s11+$0x0]  }
0xa1: {  	v13 =	vld [tilespmem:s11+$0x10]  }
0xa2: {  	v11 =	vld [tilespmem:s11+$0x20]  }
0xa3: {  	v10 =	vld [tilespmem:s11+$0x30]  }
0xa4: {  	v9 =	vld [tilespmem:s11+$0x40]  }
0xa5: {  	v12 =	vshll.u32 v8, $0x4;
	v8 =	vld [tilespmem:s11+$0x50]  }
0xa6: {  	s29 =	simm.s32 $0x200;
	v13 =	vshll.u32 v13, $0x4;
	v12 =	vadd.s32 v7, v12;
	v7 =	vld [tilespmem:s11+$0x60]  }
.LBB2_4:
0xa7: {  	p0 =	sne.s32 s29, $0x18600;
	[tilespmem:s11+$0x0] =	vst v12;
	v6 =	vadd.s32 v6, v13;
	v11 =	vshll.u32 v11, $0x4;
	v12 =	vld [tilespmem:s11+$0x70]  }
0xa8: {  	s30 =	sshra.s32 s29, $0x2;
	[tilespmem:s11+$0x10] =	vst v6;
	v5 =	vadd.s32 v5, v11;
	v6 =	vshll.u32 v10, $0x4;
	v10 =	vld [tilespmem:s11+$0x6270]  }
0xa9: {  	v13 =	vld [tilespmem:s30+$0x6200];
	[tilespmem:s11+$0x20] =	vst v5;
	v4 =	vadd.s32 v4, v6;
	v5 =	vshll.u32 v9, $0x4  }
0xaa: {  	v6 =	vld [tilespmem:s30+$0x6210];
	[tilespmem:s11+$0x30] =	vst v4;
	v3 =	vadd.s32 v3, v5;
	v4 =	vshll.u32 v8, $0x4  }
0xab: {  	v5 =	vld [tilespmem:s30+$0x6220];
	[tilespmem:s11+$0x40] =	vst v3;
	v2 =	vadd.s32 v2, v4;
	v3 =	vshll.u32 v7, $0x4  }
0xac: {  	v4 =	vld [tilespmem:s30+$0x6230];
	[tilespmem:s11+$0x50] =	vst v2;
	v1 =	vadd.s32 v1, v3;
	v2 =	vshll.u32 v12, $0x4  }
0xad: {  	v3 =	vld [tilespmem:s30+$0x6240];
	[tilespmem:s11+$0x60] =	vst v1;
	v1 =	vadd.s32 v10, v2  }
0xae: {  	v2 =	vld [tilespmem:s30+$0x6250];
	[tilespmem:s11+$0x70] =	vst v1;
	s11 =	smov.u32 s30  }
0xaf: {  	v1 =	vld [tilespmem:s11+$0x6260]  }
0xb0: {  	v7 =	vld [tilespmem:s11+$0x0]  }
0xb1: {  	v14 =	vld [tilespmem:s11+$0x10]  }
.Ltmp1:
0xb2: {  	v11 =	vld [tilespmem:s11+$0x20];
	(pc) =	sbr.rel @p0 .LBB2_4-.Ltmp1, $4  }
0xb3: {  	v10 =	vld [tilespmem:s11+$0x30]  }
0xb4: {  	v9 =	vld [tilespmem:s11+$0x40]  }
0xb5: {  	v7 =	vshll.u32 v7, $0x4;
	v8 =	vld [tilespmem:s11+$0x50]  }
0xb6: {  	s29 =	sadd.s32 $0x200, s29;
	v12 =	vadd.s32 v13, v7;
	v13 =	vshll.u32 v14, $0x4;
	v7 =	vld [tilespmem:s11+$0x60]  }
0xb7: {  	[tilespmem:s11+$0x0] =	vst v12;
	v6 =	vadd.s32 v6, v13;
	v59 =	vld [tilespmem:s11+$0x70];
	v11 =	vshll.u32 v11, $0x4  }
0xb8: {  	v61 =	vld [tilespmem:s11+$0x6270];
	[tilespmem:s11+$0x10] =	vst v6;
	v5 =	vadd.s32 v5, v11;
	v60 =	vshll.u32 v10, $0x4  }
0xb9: {  	[tilespmem:s11+$0x20] =	vst v5;
	v4 =	vadd.s32 v4, v60;
	v62 =	vshll.u32 v9, $0x4  }
0xba: {  	[tilespmem:s11+$0x30] =	vst v4;
	v3 =	vadd.s32 v3, v62;
	v63 =	vshll.u32 v8, $0x4  }
0xbb: {  	[tilespmem:s11+$0x40] =	vst v3;
	v2 =	vadd.s32 v2, v63;
	v3 =	vshll.u32 v7, $0x4  }
0xbc: {  	[tilespmem:s11+$0x50] =	vst v2;
	v1 =	vadd.s32 v1, v3;
	v2 =	vshll.u32 v59, $0x4  }
0xbd: {  	[tilespmem:s11+$0x60] =	vst v1;
	v1 =	vadd.s32 v61, v2  }
0xbe: {  	s30 =	simm.s32 $0x0;
	s29 =	rddreg [dreg:$0x7];
	[tilespmem:s11+$0x70] =	vst v1  }
0xbf: {  	[tilespmem:s31], [sflag:$0x9] =	stream.linear.gather [hbm4b:s29+s30], $0x6200, $0x38;
	[tilespmem:$0x1C780] =	vst v63  }
0xc0: {  	_ =	swait.ge [sflag:s10], $0x6200  }
0xc1: {  	[sflag:s10] =	ssyncset.done $0x0  }
0xc2: {  	s30 =	simm.s32 $0x0;
	[sflag:s10] =	ssyncadd.s32 $0xFFFF9E00  }
0xc3: {  	[tilespmem:s9], [sflag:$0x1] =	stream.indirect.gather [hbm4b:s4+s12], $0x10, s30, s12, $0xb8;
	[tilespmem:$0x1C780] =	vst v63  }
0xc4: {  	s31 =	simm.s32 $0x80  }
0xc5: {  	[tilespmem:s13], [sflag:$0x2] =	stream.indirect.gather [hbm4b:s4+s12], $0x10, s31, s12, $0xb8;
	[tilespmem:$0x1C780] =	vst v63  }
0xc6: {  	s30 =	simm.s32 $0x100  }
0xc7: {  	[tilespmem:s14], [sflag:$0x3] =	stream.indirect.gather [hbm4b:s4+s12], $0x10, s30, s12, $0xb8;
	[tilespmem:$0x1C780] =	vst v63  }
0xc8: {  	s31 =	simm.s32 $0x180  }
0xc9: {  	[tilespmem:s15], [sflag:$0x4] =	stream.indirect.gather [hbm4b:s4+s12], $0x10, s31, s12, $0xb8;
	[tilespmem:$0x1C780] =	vst v63  }
0xca: {  	s30 =	simm.s32 $0x200  }
0xcb: {  	[tilespmem:s16], [sflag:$0x5] =	stream.indirect.gather [hbm4b:s4+s12], $0x10, s30, s12, $0xb8;
	[tilespmem:$0x1C780] =	vst v63  }
0xcc: {  	s31 =	simm.s32 $0x280  }
0xcd: {  	[tilespmem:s17], [sflag:$0x6] =	stream.indirect.gather [hbm4b:s4+s12], $0x10, s31, s12, $0xb8;
	[tilespmem:$0x1C780] =	vst v63  }
0xce: {  	s30 =	simm.s32 $0x300  }
0xcf: {  	[tilespmem:s18], [sflag:$0x7] =	stream.indirect.gather [hbm4b:s4+s12], $0x10, s30, s12, $0xb8;
	[tilespmem:$0x1C780] =	vst v63  }
0xd0: {  	s31 =	simm.s32 $0x380  }
0xd1: {  	[tilespmem:s19], [sflag:$0x8] =	stream.indirect.gather [hbm4b:s4+s12], $0x10, s31, s12, $0xb8;
	[tilespmem:$0x1C780] =	vst v63  }
0xd2: {  	_ =	swait.ge [sflag:s20], $0x800  }
0xd3: {  	[sflag:s20] =	ssyncset.done $0x0  }
0xd4: {  	s30 =	simm.s32 $0x6200;
	[sflag:s20] =	ssyncadd.s32 $0xFFFFF800  }
0xd5: {  	[spmem:s2] =	stream.indirect.scatter.add.f32 [tilespmem:s9], [sflag:$0x9], $0x10, s30, s12, $0xb8;
	[tilespmem:$0x1C780] =	vst v63  }
0xd6: {  	_ =	swait.ge [sflag:s10], $0x800  }
0xd7: {  	[sflag:s10] =	ssyncset.done $0x0  }
0xd8: {  	[sflag:s10] =	ssyncadd.s32 $0xFFFFF800  }
0xd9: {  	_ =	swait.ge [sflag:s21], $0x800  }
0xda: {  	[sflag:s21] =	ssyncset.done $0x0  }
0xdb: {  	s31 =	simm.s32 $0x6280;
	[sflag:s21] =	ssyncadd.s32 $0xFFFFF800  }
0xdc: {  	[spmem:s2] =	stream.indirect.scatter.add.f32 [tilespmem:s13], [sflag:$0x9], $0x10, s31, s12, $0xb8;
	[tilespmem:$0x1C780] =	vst v63  }
0xdd: {  	_ =	swait.ge [sflag:s10], $0x800  }
0xde: {  	[sflag:s10] =	ssyncset.done $0x0  }
0xdf: {  	[sflag:s10] =	ssyncadd.s32 $0xFFFFF800  }
0xe0: {  	_ =	swait.ge [sflag:s22], $0x800  }
0xe1: {  	[sflag:s22] =	ssyncset.done $0x0  }
0xe2: {  	s30 =	simm.s32 $0x6300;
	[sflag:s22] =	ssyncadd.s32 $0xFFFFF800  }
0xe3: {  	[spmem:s2] =	stream.indirect.scatter.add.f32 [tilespmem:s14], [sflag:$0x9], $0x10, s30, s12, $0xb8;
	[tilespmem:$0x1C780] =	vst v63  }
0xe4: {  	_ =	swait.ge [sflag:s10], $0x800  }
0xe5: {  	[sflag:s10] =	ssyncset.done $0x0  }
0xe6: {  	[sflag:s10] =	ssyncadd.s32 $0xFFFFF800  }
0xe7: {  	_ =	swait.ge [sflag:s23], $0x800  }
0xe8: {  	[sflag:s23] =	ssyncset.done $0x0  }
0xe9: {  	s31 =	simm.s32 $0x6380;
	[sflag:s23] =	ssyncadd.s32 $0xFFFFF800  }
0xea: {  	[spmem:s2] =	stream.indirect.scatter.add.f32 [tilespmem:s15], [sflag:$0x9], $0x10, s31, s12, $0xb8;
	[tilespmem:$0x1C780] =	vst v63  }
0xeb: {  	_ =	swait.ge [sflag:s10], $0x800  }
0xec: {  	[sflag:s10] =	ssyncset.done $0x0  }
0xed: {  	[sflag:s10] =	ssyncadd.s32 $0xFFFFF800  }
0xee: {  	_ =	swait.ge [sflag:s24], $0x800  }
0xef: {  	[sflag:s24] =	ssyncset.done $0x0  }
0xf0: {  	s30 =	simm.s32 $0x6400;
	[sflag:s24] =	ssyncadd.s32 $0xFFFFF800  }
0xf1: {  	[spmem:s2] =	stream.indirect.scatter.add.f32 [tilespmem:s16], [sflag:$0x9], $0x10, s30, s12, $0xb8;
	[tilespmem:$0x1C780] =	vst v63  }
0xf2: {  	_ =	swait.ge [sflag:s10], $0x800  }
0xf3: {  	[sflag:s10] =	ssyncset.done $0x0  }
0xf4: {  	[sflag:s10] =	ssyncadd.s32 $0xFFFFF800  }
0xf5: {  	_ =	swait.ge [sflag:s25], $0x800  }
0xf6: {  	[sflag:s25] =	ssyncset.done $0x0  }
0xf7: {  	s31 =	simm.s32 $0x6480;
	[sflag:s25] =	ssyncadd.s32 $0xFFFFF800  }
0xf8: {  	[spmem:s2] =	stream.indirect.scatter.add.f32 [tilespmem:s17], [sflag:$0x9], $0x10, s31, s12, $0xb8;
	[tilespmem:$0x1C780] =	vst v63  }
0xf9: {  	_ =	swait.ge [sflag:s10], $0x800  }
0xfa: {  	[sflag:s10] =	ssyncset.done $0x0  }
0xfb: {  	[sflag:s10] =	ssyncadd.s32 $0xFFFFF800  }
0xfc: {  	_ =	swait.ge [sflag:s26], $0x800  }
0xfd: {  	[sflag:s26] =	ssyncset.done $0x0  }
0xfe: {  	s30 =	simm.s32 $0x6500;
	[sflag:s26] =	ssyncadd.s32 $0xFFFFF800  }
0xff: {  	[spmem:s2] =	stream.indirect.scatter.add.f32 [tilespmem:s18], [sflag:$0x9], $0x10, s30, s12, $0xb8;
	[tilespmem:$0x1C780] =	vst v63  }
0x100: {  	_ =	swait.ge [sflag:s10], $0x800  }
0x101: {  	[sflag:s10] =	ssyncset.done $0x0  }
0x102: {  	[sflag:s10] =	ssyncadd.s32 $0xFFFFF800  }
0x103: {  	_ =	swait.ge [sflag:s28], $0x800  }
0x104: {  	[sflag:s28] =	ssyncset.done $0x0  }
0x105: {  	s31 =	simm.s32 $0x6580;
	[sflag:s28] =	ssyncadd.s32 $0xFFFFF800  }
0x106: {  	[spmem:s2] =	stream.indirect.scatter.add.f32 [tilespmem:s19], [sflag:$0x9], $0x10, s31, s12, $0xb8;
	[tilespmem:$0x1C780] =	vst v63  }
0x107: {  	_ =	swait.ge [sflag:s10], $0x800  }
0x108: {  	s11 =	simm.s32 $0x1000;
	s29 =	simm.s32 $0x2000;
	[sflag:s10] =	ssyncset.done $0x0  }
.LBB2_6:
0x109: {  	s30 =	sshra.s32 s11, $0x2  }
0x10a: {  	[sflag:s10] =	ssyncadd.s32 $0xFFFFF800;
	s11 =	smov.u32 s29;
	s31 =	sadd.s32 $0x1000, s29  }
0x10b: {  	[tilespmem:s9], [sflag:$0x1] =	stream.indirect.gather [hbm4b:s4+s12], $0x10, s30, s12, $0xb8;
	[tilespmem:$0x1C780] =	vst v63  }
0x10c: {  	p0 =	sne.s32 s29, $0x17000;
	s29 =	sadd.s32 $0x80, s30  }
0x10d: {  	[tilespmem:s13], [sflag:$0x2] =	stream.indirect.gather [hbm4b:s4+s12], $0x10, s29, s12, $0xb8;
	[tilespmem:$0x1C780] =	vst v63  }
0x10e: {  	s29 =	sadd.s32 $0x100, s30  }
0x10f: {  	[tilespmem:s14], [sflag:$0x3] =	stream.indirect.gather [hbm4b:s4+s12], $0x10, s29, s12, $0xb8;
	[tilespmem:$0x1C780] =	vst v63  }
0x110: {  	s29 =	sadd.s32 $0x180, s30  }
0x111: {  	[tilespmem:s15], [sflag:$0x4] =	stream.indirect.gather [hbm4b:s4+s12], $0x10, s29, s12, $0xb8;
	[tilespmem:$0x1C780] =	vst v63  }
0x112: {  	s29 =	sadd.s32 $0x200, s30  }
0x113: {  	[tilespmem:s16], [sflag:$0x5] =	stream.indirect.gather [hbm4b:s4+s12], $0x10, s29, s12, $0xb8;
	[tilespmem:$0x1C780] =	vst v63  }
0x114: {  	s29 =	sadd.s32 $0x280, s30  }
0x115: {  	[tilespmem:s17], [sflag:$0x6] =	stream.indirect.gather [hbm4b:s4+s12], $0x10, s29, s12, $0xb8;
	[tilespmem:$0x1C780] =	vst v63  }
0x116: {  	s29 =	sadd.s32 $0x300, s30  }
0x117: {  	[tilespmem:s18], [sflag:$0x7] =	stream.indirect.gather [hbm4b:s4+s12], $0x10, s29, s12, $0xb8;
	[tilespmem:$0x1C780] =	vst v63  }
0x118: {  	s29 =	sadd.s32 $0x380, s30  }
0x119: {  	[tilespmem:s19], [sflag:$0x8] =	stream.indirect.gather [hbm4b:s4+s12], $0x10, s29, s12, $0xb8;
	[tilespmem:$0x1C780] =	vst v63  }
0x11a: {  	_ =	swait.ge [sflag:s20], $0x800  }
0x11b: {  	[sflag:s20] =	ssyncset.done $0x0  }
0x11c: {  	s29 =	sadd.s32 $0x6200, s30;
	[sflag:s20] =	ssyncadd.s32 $0xFFFFF800  }
0x11d: {  	[spmem:s2] =	stream.indirect.scatter.add.f32 [tilespmem:s9], [sflag:$0x9], $0x10, s29, s12, $0xb8;
	[tilespmem:$0x1C780] =	vst v63  }
0x11e: {  	_ =	swait.ge [sflag:s10], $0x800  }
0x11f: {  	[sflag:s10] =	ssyncset.done $0x0  }
0x120: {  	[sflag:s10] =	ssyncadd.s32 $0xFFFFF800  }
0x121: {  	_ =	swait.ge [sflag:s21], $0x800  }
0x122: {  	[sflag:s21] =	ssyncset.done $0x0  }
0x123: {  	s29 =	sadd.s32 $0x6280, s30;
	[sflag:s21] =	ssyncadd.s32 $0xFFFFF800  }
0x124: {  	[spmem:s2] =	stream.indirect.scatter.add.f32 [tilespmem:s13], [sflag:$0x9], $0x10, s29, s12, $0xb8;
	[tilespmem:$0x1C780] =	vst v63  }
0x125: {  	_ =	swait.ge [sflag:s10], $0x800  }
0x126: {  	[sflag:s10] =	ssyncset.done $0x0  }
0x127: {  	[sflag:s10] =	ssyncadd.s32 $0xFFFFF800  }
0x128: {  	_ =	swait.ge [sflag:s22], $0x800  }
0x129: {  	[sflag:s22] =	ssyncset.done $0x0  }
0x12a: {  	s29 =	sadd.s32 $0x6300, s30;
	[sflag:s22] =	ssyncadd.s32 $0xFFFFF800  }
0x12b: {  	[spmem:s2] =	stream.indirect.scatter.add.f32 [tilespmem:s14], [sflag:$0x9], $0x10, s29, s12, $0xb8;
	[tilespmem:$0x1C780] =	vst v63  }
0x12c: {  	_ =	swait.ge [sflag:s10], $0x800  }
0x12d: {  	[sflag:s10] =	ssyncset.done $0x0  }
0x12e: {  	[sflag:s10] =	ssyncadd.s32 $0xFFFFF800  }
0x12f: {  	_ =	swait.ge [sflag:s23], $0x800  }
0x130: {  	[sflag:s23] =	ssyncset.done $0x0  }
0x131: {  	s29 =	sadd.s32 $0x6380, s30;
	[sflag:s23] =	ssyncadd.s32 $0xFFFFF800  }
0x132: {  	[spmem:s2] =	stream.indirect.scatter.add.f32 [tilespmem:s15], [sflag:$0x9], $0x10, s29, s12, $0xb8;
	[tilespmem:$0x1C780] =	vst v63  }
0x133: {  	_ =	swait.ge [sflag:s10], $0x800  }
0x134: {  	[sflag:s10] =	ssyncset.done $0x0  }
0x135: {  	[sflag:s10] =	ssyncadd.s32 $0xFFFFF800  }
0x136: {  	_ =	swait.ge [sflag:s24], $0x800  }
0x137: {  	[sflag:s24] =	ssyncset.done $0x0  }
0x138: {  	s29 =	sadd.s32 $0x6400, s30;
	[sflag:s24] =	ssyncadd.s32 $0xFFFFF800  }
0x139: {  	[spmem:s2] =	stream.indirect.scatter.add.f32 [tilespmem:s16], [sflag:$0x9], $0x10, s29, s12, $0xb8;
	[tilespmem:$0x1C780] =	vst v63  }
0x13a: {  	_ =	swait.ge [sflag:s10], $0x800  }
0x13b: {  	[sflag:s10] =	ssyncset.done $0x0  }
0x13c: {  	[sflag:s10] =	ssyncadd.s32 $0xFFFFF800  }
0x13d: {  	_ =	swait.ge [sflag:s25], $0x800  }
0x13e: {  	[sflag:s25] =	ssyncset.done $0x0  }
0x13f: {  	s29 =	sadd.s32 $0x6480, s30;
	[sflag:s25] =	ssyncadd.s32 $0xFFFFF800  }
0x140: {  	[spmem:s2] =	stream.indirect.scatter.add.f32 [tilespmem:s17], [sflag:$0x9], $0x10, s29, s12, $0xb8;
	[tilespmem:$0x1C780] =	vst v63  }
0x141: {  	_ =	swait.ge [sflag:s10], $0x800  }
0x142: {  	[sflag:s10] =	ssyncset.done $0x0  }
0x143: {  	[sflag:s10] =	ssyncadd.s32 $0xFFFFF800  }
0x144: {  	_ =	swait.ge [sflag:s26], $0x800  }
0x145: {  	[sflag:s26] =	ssyncset.done $0x0  }
0x146: {  	s29 =	sadd.s32 $0x6500, s30;
	[sflag:s26] =	ssyncadd.s32 $0xFFFFF800  }
0x147: {  	[spmem:s2] =	stream.indirect.scatter.add.f32 [tilespmem:s18], [sflag:$0x9], $0x10, s29, s12, $0xb8;
	[tilespmem:$0x1C780] =	vst v63  }
0x148: {  	_ =	swait.ge [sflag:s10], $0x800  }
0x149: {  	[sflag:s10] =	ssyncset.done $0x0  }
0x14a: {  	[sflag:s10] =	ssyncadd.s32 $0xFFFFF800  }
0x14b: {  	_ =	swait.ge [sflag:s28], $0x800  }
.Ltmp2:
0x14c: {  	[sflag:s28] =	ssyncset.done $0x0;
	(pc) =	sbr.rel @p0 .LBB2_6-.Ltmp2, $4  }
0x14d: {  	s29 =	sadd.s32 $0x6580, s30;
	[sflag:s28] =	ssyncadd.s32 $0xFFFFF800  }
0x14e: {  	[spmem:s2] =	stream.indirect.scatter.add.f32 [tilespmem:s19], [sflag:$0x9], $0x10, s29, s12, $0xb8;
	[tilespmem:$0x1C780] =	vst v63  }
0x14f: {  	_ =	swait.ge [sflag:s10], $0x800  }
0x150: {  	s29 =	smov.u32 s31;
	[sflag:s10] =	ssyncset.done $0x0  }
0x151: {  	s11 =	sshra.s32 s11, $0x2;
	[sflag:s10] =	ssyncadd.s32 $0xFFFFF800  }
0x152: {  	[tilespmem:s9], [sflag:$0x1] =	stream.indirect.gather [hbm4b:s4+s12], $0x10, s11, s12, $0xb8;
	[tilespmem:$0x1C780] =	vst v63  }
0x153: {  	s29 =	sadd.s32 $0x80, s11  }
0x154: {  	[tilespmem:s13], [sflag:$0x2] =	stream.indirect.gather [hbm4b:s4+s12], $0x10, s29, s12, $0xb8;
	[tilespmem:$0x1C780] =	vst v63  }
0x155: {  	s30 =	sadd.s32 $0x100, s11  }
0x156: {  	[tilespmem:s14], [sflag:$0x3] =	stream.indirect.gather [hbm4b:s4+s12], $0x10, s30, s12, $0xb8;
	[tilespmem:$0x1C780] =	vst v63  }
0x157: {  	s30 =	sadd.s32 $0x180, s11  }
0x158: {  	[tilespmem:s15], [sflag:$0x4] =	stream.indirect.gather [hbm4b:s4+s12], $0x10, s30, s12, $0xb8;
	[tilespmem:$0x1C780] =	vst v63  }
0x159: {  	s30 =	sadd.s32 $0x200, s11  }
0x15a: {  	[tilespmem:s16], [sflag:$0x5] =	stream.indirect.gather [hbm4b:s4+s12], $0x10, s30, s12, $0xb8;
	[tilespmem:$0x1C780] =	vst v63  }
0x15b: {  	s30 =	sadd.s32 $0x280, s11  }
0x15c: {  	[tilespmem:s17], [sflag:$0x6] =	stream.indirect.gather [hbm4b:s4+s12], $0x10, s30, s12, $0xb8;
	[tilespmem:$0x1C780] =	vst v63  }
0x15d: {  	s30 =	sadd.s32 $0x300, s11  }
0x15e: {  	[tilespmem:s18], [sflag:$0x7] =	stream.indirect.gather [hbm4b:s4+s12], $0x10, s30, s12, $0xb8;
	[tilespmem:$0x1C780] =	vst v63  }
0x15f: {  	s30 =	sadd.s32 $0x380, s11  }
0x160: {  	[tilespmem:s19], [sflag:$0x8] =	stream.indirect.gather [hbm4b:s4+s12], $0x10, s30, s12, $0xb8;
	[tilespmem:$0x1C780] =	vst v63  }
0x161: {  	_ =	swait.ge [sflag:s20], $0x800  }
0x162: {  	[sflag:s20] =	ssyncset.done $0x0  }
0x163: {  	s30 =	sadd.s32 $0x6200, s11;
	[sflag:s20] =	ssyncadd.s32 $0xFFFFF800  }
0x164: {  	[spmem:s2] =	stream.indirect.scatter.add.f32 [tilespmem:s9], [sflag:$0x9], $0x10, s30, s12, $0xb8;
	[tilespmem:$0x1C780] =	vst v63  }
0x165: {  	_ =	swait.ge [sflag:s10], $0x800  }
0x166: {  	[sflag:s10] =	ssyncset.done $0x0  }
0x167: {  	[sflag:s10] =	ssyncadd.s32 $0xFFFFF800  }
0x168: {  	_ =	swait.ge [sflag:s21], $0x800  }
0x169: {  	[sflag:s21] =	ssyncset.done $0x0  }
0x16a: {  	s30 =	sadd.s32 $0x6280, s11;
	[sflag:s21] =	ssyncadd.s32 $0xFFFFF800  }
0x16b: {  	[spmem:s2] =	stream.indirect.scatter.add.f32 [tilespmem:s13], [sflag:$0x9], $0x10, s30, s12, $0xb8;
	[tilespmem:$0x1C780] =	vst v63  }
0x16c: {  	_ =	swait.ge [sflag:s10], $0x800  }
0x16d: {  	[sflag:s10] =	ssyncset.done $0x0  }
0x16e: {  	[sflag:s10] =	ssyncadd.s32 $0xFFFFF800  }
0x16f: {  	_ =	swait.ge [sflag:s22], $0x800  }
0x170: {  	[sflag:s22] =	ssyncset.done $0x0  }
0x171: {  	s30 =	sadd.s32 $0x6300, s11;
	[sflag:s22] =	ssyncadd.s32 $0xFFFFF800  }
0x172: {  	[spmem:s2] =	stream.indirect.scatter.add.f32 [tilespmem:s14], [sflag:$0x9], $0x10, s30, s12, $0xb8;
	[tilespmem:$0x1C780] =	vst v63  }
0x173: {  	_ =	swait.ge [sflag:s10], $0x800  }
0x174: {  	[sflag:s10] =	ssyncset.done $0x0  }
0x175: {  	[sflag:s10] =	ssyncadd.s32 $0xFFFFF800  }
0x176: {  	_ =	swait.ge [sflag:s23], $0x800  }
0x177: {  	[sflag:s23] =	ssyncset.done $0x0  }
0x178: {  	s30 =	sadd.s32 $0x6380, s11;
	[sflag:s23] =	ssyncadd.s32 $0xFFFFF800  }
0x179: {  	[spmem:s2] =	stream.indirect.scatter.add.f32 [tilespmem:s15], [sflag:$0x9], $0x10, s30, s12, $0xb8;
	[tilespmem:$0x1C780] =	vst v63  }
0x17a: {  	_ =	swait.ge [sflag:s10], $0x800  }
0x17b: {  	[sflag:s10] =	ssyncset.done $0x0  }
0x17c: {  	[sflag:s10] =	ssyncadd.s32 $0xFFFFF800  }
0x17d: {  	_ =	swait.ge [sflag:s24], $0x800  }
0x17e: {  	[sflag:s24] =	ssyncset.done $0x0  }
0x17f: {  	s30 =	sadd.s32 $0x6400, s11;
	[sflag:s24] =	ssyncadd.s32 $0xFFFFF800  }
0x180: {  	[spmem:s2] =	stream.indirect.scatter.add.f32 [tilespmem:s16], [sflag:$0x9], $0x10, s30, s12, $0xb8;
	[tilespmem:$0x1C780] =	vst v63  }
0x181: {  	_ =	swait.ge [sflag:s10], $0x800  }
0x182: {  	[sflag:s10] =	ssyncset.done $0x0  }
0x183: {  	[sflag:s10] =	ssyncadd.s32 $0xFFFFF800  }
0x184: {  	_ =	swait.ge [sflag:s25], $0x800  }
0x185: {  	[sflag:s25] =	ssyncset.done $0x0  }
0x186: {  	s30 =	sadd.s32 $0x6480, s11;
	[sflag:s25] =	ssyncadd.s32 $0xFFFFF800  }
0x187: {  	[spmem:s2] =	stream.indirect.scatter.add.f32 [tilespmem:s17], [sflag:$0x9], $0x10, s30, s12, $0xb8;
	[tilespmem:$0x1C780] =	vst v63  }
0x188: {  	_ =	swait.ge [sflag:s10], $0x800  }
0x189: {  	[sflag:s10] =	ssyncset.done $0x0  }
0x18a: {  	[sflag:s10] =	ssyncadd.s32 $0xFFFFF800  }
0x18b: {  	_ =	swait.ge [sflag:s26], $0x800  }
0x18c: {  	[sflag:s26] =	ssyncset.done $0x0  }
0x18d: {  	s30 =	sadd.s32 $0x6500, s11;
	[sflag:s26] =	ssyncadd.s32 $0xFFFFF800  }
0x18e: {  	[spmem:s2] =	stream.indirect.scatter.add.f32 [tilespmem:s18], [sflag:$0x9], $0x10, s30, s12, $0xb8;
	[tilespmem:$0x1C780] =	vst v63  }
0x18f: {  	_ =	swait.ge [sflag:s10], $0x800  }
0x190: {  	[sflag:s10] =	ssyncset.done $0x0  }
0x191: {  	[sflag:s10] =	ssyncadd.s32 $0xFFFFF800  }
0x192: {  	_ =	swait.ge [sflag:s28], $0x800  }
0x193: {  	[sflag:s28] =	ssyncset.done $0x0  }
0x194: {  	s11 =	sadd.s32 $0x6580, s11;
	[sflag:s28] =	ssyncadd.s32 $0xFFFFF800  }
0x195: {  	[spmem:s2] =	stream.indirect.scatter.add.f32 [tilespmem:s19], [sflag:$0x9], $0x10, s11, s12, $0xb8;
	[tilespmem:$0x1C780] =	vst v63  }
0x196: {  	_ =	swait.ge [sflag:s10], $0x800  }
0x197: {  	[sflag:s10] =	ssyncset.done $0x0  }
0x198: {  	s29 =	simm.s32 $0x6000;
	[sflag:s10] =	ssyncadd.s32 $0xFFFFF800  }
0x199: {  	[tilespmem:s9], [sflag:$0x1] =	stream.indirect.gather [hbm4b:s4+s12], $0x10, s29, s12, $0xb8;
	[tilespmem:$0x1C780] =	vst v63  }
0x19a: {  	s30 =	simm.s32 $0x6080  }
0x19b: {  	[tilespmem:s13], [sflag:$0x2] =	stream.indirect.gather [hbm4b:s4+s12], $0x10, s30, s12, $0xb8;
	[tilespmem:$0x1C780] =	vst v63  }
0x19c: {  	s29 =	simm.s32 $0x6100  }
0x19d: {  	[tilespmem:s14], [sflag:$0x3] =	stream.indirect.gather [hbm4b:s4+s12], $0x10, s29, s12, $0xb8;
	[tilespmem:$0x1C780] =	vst v63  }
0x19e: {  	s30 =	simm.s32 $0x6180  }
0x19f: {  	[tilespmem:s15], [sflag:$0x4] =	stream.indirect.gather [hbm4b:s4+s12], $0x10, s30, s12, $0xb8;
	[tilespmem:$0x1C780] =	vst v63  }
0x1a0: {  	_ =	swait.ge [sflag:s20], $0x800  }
0x1a1: {  	[sflag:s20] =	ssyncset.done $0x0  }
0x1a2: {  	s29 =	simm.s32 $0xC200;
	[sflag:s20] =	ssyncadd.s32 $0xFFFFF800  }
0x1a3: {  	[spmem:s2] =	stream.indirect.scatter.add.f32 [tilespmem:s9], [sflag:$0x9], $0x10, s29, s12, $0xb8;
	[tilespmem:$0x1C780] =	vst v63  }
0x1a4: {  	_ =	swait.ge [sflag:s10], $0x800  }
0x1a5: {  	[sflag:s10] =	ssyncset.done $0x0  }
0x1a6: {  	[sflag:s10] =	ssyncadd.s32 $0xFFFFF800  }
0x1a7: {  	_ =	swait.ge [sflag:s21], $0x800  }
0x1a8: {  	[sflag:s21] =	ssyncset.done $0x0  }
0x1a9: {  	s30 =	simm.s32 $0xC280;
	[sflag:s21] =	ssyncadd.s32 $0xFFFFF800  }
0x1aa: {  	[spmem:s2] =	stream.indirect.scatter.add.f32 [tilespmem:s13], [sflag:$0x9], $0x10, s30, s12, $0xb8;
	[tilespmem:$0x1C780] =	vst v63  }
0x1ab: {  	_ =	swait.ge [sflag:s10], $0x800  }
0x1ac: {  	[sflag:s10] =	ssyncset.done $0x0  }
0x1ad: {  	[sflag:s10] =	ssyncadd.s32 $0xFFFFF800  }
0x1ae: {  	_ =	swait.ge [sflag:s22], $0x800  }
0x1af: {  	[sflag:s22] =	ssyncset.done $0x0  }
0x1b0: {  	s29 =	simm.s32 $0xC300;
	[sflag:s22] =	ssyncadd.s32 $0xFFFFF800  }
0x1b1: {  	[spmem:s2] =	stream.indirect.scatter.add.f32 [tilespmem:s14], [sflag:$0x9], $0x10, s29, s12, $0xb8;
	[tilespmem:$0x1C780] =	vst v63  }
0x1b2: {  	_ =	swait.ge [sflag:s10], $0x800  }
0x1b3: {  	[sflag:s10] =	ssyncset.done $0x0  }
0x1b4: {  	[sflag:s10] =	ssyncadd.s32 $0xFFFFF800  }
0x1b5: {  	_ =	swait.ge [sflag:s23], $0x800  }
0x1b6: {  	[sflag:s23] =	ssyncset.done $0x0  }
0x1b7: {  	s30 =	simm.s32 $0xC380;
	[sflag:s23] =	ssyncadd.s32 $0xFFFFF800  }
0x1b8: {  	[spmem:s2] =	stream.indirect.scatter.add.f32 [tilespmem:s15], [sflag:$0x9], $0x10, s30, s12, $0xb8;
	[tilespmem:$0x1C780] =	vst v63  }
0x1b9: {  	_ =	swait.ge [sflag:s10], $0x800  }
0x1ba: {  	[sflag:s10] =	ssyncset.done $0x0  }
0x1bb: {  	[sflag:s10] =	ssyncadd.s32 $0xFFFFF800  }
0x1bc: {  	s29 =	stileid.u32;
	[bflag:$0x0] =	sbarrier.arrive $0xFFFF  }
0x1bd: {  	s11 =	sshll.u32 s29, $0x6;
	s29 =	rddreg [dreg:$0x8]  }
0x1be: {  	s11 =	sor.u32 $0x1C09, s11;
	s30 =	rddreg [dreg:$0x17]  }
0x1bf: {  	[hbm:s29], [sflag:s11] =	dma.local [spmem:s30], $0x1870  }
0x1c0: {  	_ =	swait.ge [sflag:s10], $0x1870  }
0x1c1: {  	s3 =	sadd.s32 $0x1, s3;
	s30 =	rddreg [dreg:$0x9]  }
0x1c2: {  	p0 =	sne.s32 s3, s30  }
.Ltmp3:
0x1c3: {  	_ = 	snop;
	(pc) =	sbr.rel @p0 .LBB2_1-.Ltmp3, $3  }
0x1c4: {  	_ =	sdelay $0x1  }
0x1c5: {  	[sflag:s10] =	ssyncset.done $0x0  }
0x1c6: {  	s31 =	simm.s32 $0x6200;
	[sflag:s10] =	ssyncadd.s32 $0xFFFFE790  }
0x1c7: {  	_ =	sfence.sel $0x180000  }
0x1c8: {  	[bflag:$0x0] =	sbarrier.arrive $0xFFFF  }
0x1c9: {  	_ =	strace $0x9000004A  }
0x1ca: {  	s0 =	stileid.u32;
	[bflag:$0x2] =	sbarrier.arrive $0xFFFF  }
0x1cb: {  	p0 =	sne.s32 s0, $0x0;
	s0 =	rddreg [dreg:$0x3]  }
0x1cc: {  	s0 =	sadd.s32 @!p0 $0x100000, s0  }
0x1cd: {  	[sflag:s0] =	ssyncadd.tile.s32 @!p0 $0x1;
	_ =	shalt  }
.Lfunc_end2:
_tile_overlayer_lowered:
.L_overlay_start_2:
0x1ce: {  	(tag) =	ssettag $0x2  }
0x1cf: {  	s0 =	rddreg [dreg:$0x0];
	s2 =	stileid.u32  }
0x1d0: {  	s1 =	rddreg [dreg:$0x1];
	p0 =	sne.s32 s2, $0x0  }
0x1d1: {  	s3 =	rddreg [dreg:$0x2];
	[bflag:$0x3] =	sbarrier.arrive $0xFFFF;
	s2 =	simm.s32 @!p0 $0x1C09  }
0x1d2: {  	[timem:s3], [sflag:s2] =	dma.local @!p0 [hbm:s0], s1  }
0x1d3: {  	s0 =	simm.s32 @!p0 $0x9  }
0x1d4: {  	_ =	swait.ge @!p0 [sflag:s0], s1  }
0x1d5: {  	s1 =	ssub.s32 @!p0 $0x0, s1;
	[sflag:s0] =	ssyncset.done @!p0 $0x0  }
0x1d6: {  	[sflag:s0] =	ssyncadd.s32 @!p0 s1  }
0x1d7: {  	[bflag:$0x3] =	sbarrier.arrive $0xFFFF  }
0x1d8: {  	_ =	shalt  }

// kernel: sparse-core-data-format-call.cloned.1.call-start
scs
called_computation_lowered:
.L_overlay_start_0:
0x0: {  	s1 =	sld [smem:$0x3FD9]  }
0x1: {  	s2 =	sld [smem:$0x3FFE];
	_ =	sdelay $0x1  }
0x2: {  	s3 =	srdreg.scid  }
0x3: {  	s0 =	sand.u32 $0x1, s3  }
0x4: {  	s17 =	sshll.u32 s0, $0xA;
	s1 =	sadd.s32 s2, s1  }
0x5: {  	s1 =	sadd.s32 s1, s17  }
0x6: {  	[smem:$0x3FBE] =	sst s1  }
0x7: {  	_ = 	snop  }
0x8: {  	(tm) =	ssettm $0x1  }
0x9: {  	s18 =	sld [smem:$0x3FFB];
	_ =	sdelay $0x3  }
0xa: {  	_ =	strace s18  }
0xb: {  	s1 =	sld [smem:$0x3FFC];
	_ =	sdelay $0x3  }
0xc: {  	_ =	strace s1  }
0xd: {  	s1 =	sld [smem:$0x3FFD];
	_ =	sdelay $0x3  }
0xe: {  	_ =	strace s1  }
0xf: {  	_ =	strace $0x8FFFFFFF  }
0x10: {  	s19 =	sld [smem:$0x3FDB];
	_ =	sdelay $0x1  }
0x11: {  	s20 =	simm.s32 $_scs_section_size  }
0x12: {  	s4 =	simm.s32 $_size__tile_overlayer_lowered;
	s5 =	simm.s32 $_tile_overlayer_lowered  }
0x13: {  	s23 =	simm.s32 $0x1BFF;
	s22 =	sshll.u32 s5, $0x1;
	s1 =	sadd.s32 s20, s19  }
0x14: {  	s6 =	simm.s32 $0x0;
	s21 =	sshll.u32 s4, $0x1;
	s4 =	sadd.s32 s22, s1  }
0x15: {  	[timem:s6], [sflag:s23] =	dma.local [hbm:s4], s21  }
0x16: {  	_ =	swait.ge [sflag:s23], s21  }
0x17: {  	s2 =	ssub.s32 $0x0, s21;
	[sflag:s23] =	ssyncset.done $0x0  }
0x18: {  	[sflag:s23] =	ssyncadd.s32 s2;
	_ =	sdelay $0x1  }
0x19: {  	s24 =	simm.s32 $0x1B8B  }
0x1a: {  	_ =	swait.ge [sflag:s24], $0x1  }
0x1b: {  	[sflag:s24] =	ssyncset.done $0x0  }
0x1c: {  	s26 =	simm.s32 $0x1B8E;
	s25 =	sld [smem:$0x3FFE];
	[sflag:s24] =	ssyncadd.s32 $0xFFFFFFFF  }
0x1d: {  	s27 =	simm.s32 $execute0_lowered;
	[smem:$0x3FD2] =	sst s26  }
0x1e: {  	s4 =	sshll.u32 s27, $0x1;
	_ =	strace $0x80000046;
	[dreg:$0x1] =	wrdreg $0xFFFFFFFF  }
0x1f: {  	s28 =	simm.s32 $_size_execute0_lowered;
	s1 =	sadd.s32 s1, s4;
	[dreg:$0x0] =	wrdreg $0x0  }
0x20: {  	s4 =	sshll.u32 s28, $0x1;
	[dreg:$0x2] =	wrdreg s1  }
0x21: {  	[dreg:$0x3] =	wrdreg s4  }
0x22: {  	[dreg:$0x4] =	wrdreg $0xC0  }
0x23: {  	_ =	task [dreg:s6], $0x5FFFF  }
0x24: {  	[dreg:$0x1] =	wrdreg $0xFFFFFFFF  }
0x25: {  	[dreg:$0x0] =	wrdreg $0x60  }
0x26: {  	[dreg:$0x2] =	wrdreg s25  }
0x27: {  	[dreg:$0x3] =	wrdreg $0x9  }
0x28: {  	_ =	task.clear_ibuf [dreg:s6], $0x4FFFF;
	_ =	strace $0x90000046  }
0x29: {  	s29 =	simm.s32 $0x9;
	_ =	strace $0x80000048  }
0x2a: {  	_ =	swait.ge [sflag:s29], $0x1  }
0x2b: {  	[sflag:s29] =	ssyncadd.s32 $0xFFFFFFFF  }
0x2c: {  	_ =	strace $0x90000048  }
0x2d: {  	_ =	sfence  }
0x2e: {  	s30 =	sld [smem:$0x0];
	_ =	sdelay $0x2  }
0x2f: {  	s31 =	sshll.u32 s3, $0xD;
	s3 =	sshrl.u32 s3, $0x2  }
0x30: {  	s2 =	sand.u32 $0x4000, s31;
	s1 =	sadd.s32 s3, s30  }
0x31: {  	s0 =	sor.u32 s2, s0;
	s1 =	sshll.u32 s1, $0x11  }
0x32: {  	s0 =	sor.u32 s1, s0  }
0x33: {  	s0 =	sadd.s32 $0x8F2B, s0  }
0x34: {  	[sflag:s0] =	ssyncadd.remote.s32 $0x1  }
0x35: {  	_ =	sfence.sel $0xFFFF  }
0x36: {  	[dreg:$0x0] =	wrdreg $0xFFFFFFFF;
	(pc) =	sbr.abs _section_cstart, $3  }
0x37: {  	[dreg:$0x1] =	wrdreg $0xFFFFFFFF  }
0x38: {  	_ =	task.clear_ibuf [dreg:s6], $0x2FFFF;
	_ =	strace $0x9FFFFFFF  }
0x39: {  	(tm) =	ssettm $0x7FFFFFFF  }
tec
execute0_lowered:
.L_overlay_start_1:
0x0: {  	(tag) =	ssettag $0x1  }
0x1: {  	s0 =	srdreg.scid  }
0x2: {  	s5 =	rddreg [dreg:$0x0];
	s1 =	stileid.u32;
	s4 =	simm.s32 $0x1  }
0x3: {  	s6 =	simm.s32 $0x2;
	s8 =	simm.s32 $0x0;
	s2 =	sshll.u32 s0, $0x4  }
0x4: {  	s9 =	simm.s32 $0x0;
	s13 =	simm.s32 $0x0;
	s2 =	sand.u32 $0x10, s2  }
.Ltmp0:
0x5: {  	s10 =	simm.s32 $0x0;
	s3 =	sor.u32 s1, s2;
	(pc) =	sbr.rel .LBB1_1-.Ltmp0, $4  }
0x6: {  	s0 =	rddreg [dreg:$0x1];
	_ =	strace $0x80000047;
	s3 =	sshll.u32 s3, $0x3  }
0x7: {  	s12 =	simm.s32 $0x0;
	[sflag:s4] =	ssyncpa.u1 $0x0;
	s7 =	ssub.s32 $0x1868, s3  }
0x8: {  	s2 =	sadd.s32 $0xC5000, s5;
	[sflag:s6] =	ssyncpa.u1 $0x0;
	s6 =	sshrl.u32 s7, $0x8  }
0x9: {  	s5 =	sadd.s32 $0x24BA00, s5;
	s11 =	smov.u32 s3;
	s7 =	sadd.s32 $0x2, s6  }
.LBB1_9:
0xa: {  	s15 =	sshll.u32 s12, $0xE  }
0xb: {  	s16 =	sshll.u32 s10, $0x8;
	s15 =	sand.u32 $0x4000, s15  }
0xc: {  	s16 =	sadd.s32 s5, s16;
	s15 =	sor.u32 $0x8000, s15  }
0xd: {  	[hbm4b:s16+s8] =	stream.linear.scatter [tilespmem:s15], [sflag:$0x2], s14, $0x38;
	[tilespmem:$0x10000] =	vst v63  }
.LBB1_10:
0xe: {  	p0 =	slt.u32 s12, $0x2  }
0xf: {  	p1 =	sgt.s32 @!p0 s13, $0x1862  }
0x10: {  	s14 =	smov.u32 s13;
	s15 =	sshra.s32 @!p0 s13, $0x1F;
	p1 =	por !p1, p0  }
0x11: {  	s13 =	sand.u32 @!p0 s15, s13;
	s14 =	simm.s32 @p1 $0x1862  }
0x12: {  	s13 =	ssub.s32 @!p0 s14, s13  }
0x13: {  	s13 =	sadd.s32 @!p0 $0xFFFFE79E, s13  }
0x14: {  	s14 =	sshll.u32 @!p0 s13, $0xD  }
0x15: {  	p1 =	sgt.s32 @!p0 s13, $0x7;
	s13 =	ssub.s32 @!p0 $0x10000, s14  }
0x16: {  	s15 =	sadd.s32 $0x100, s11;
	p1 =	por !p1, p0;
	s13 =	sshrl.u32 @!p0 s13, $0x2  }
0x17: {  	s13 =	simm.s32 @!p1 $0x0;
	p1 =	sgt.s32 s15, $0x1869  }
0x18: {  	s15 =	smov.u32 @p1 s3;
	p1 =	sne.s32 s12, s7  }
.Ltmp1:
0x19: {  	_ = 	snop;
	(pc) =	sbr.rel @!p1 .LBB1_11-.Ltmp1, $4  }
0x1a: {  	s14 =	simm.s32 @!p0 $0x2  }
0x1b: {  	s9 =	sadd.s32 $0x4000, s9;
	_ =	swait.ge @!p0 [sflag:s14], s13;
	s16 =	ssub.s32 @!p0 $0x0, s13  }
0x1c: {  	s13 =	smov.u32 s10;
	s12 =	sadd.s32 $0x1, s12;
	[sflag:s14] =	ssyncset.done @!p0 $0x0  }
0x1d: {  	s10 =	smov.u32 s11;
	s11 =	smov.u32 s15;
	[sflag:s14] =	ssyncadd.s32 @!p0 s16  }
.LBB1_1:
0x1e: {  	p0 =	sgt.u32 s12, s6  }
0x1f: {  	p1 =	sgt.s32 @!p0 s11, $0x1862  }
0x20: {  	s14 =	smov.u32 s11;
	s15 =	sshra.s32 @!p0 s11, $0x1F;
	p1 =	por !p1, p0  }
0x21: {  	s15 =	sand.u32 @!p0 s15, s11;
	s14 =	simm.s32 @p1 $0x1862  }
0x22: {  	s14 =	ssub.s32 @!p0 s14, s15  }
0x23: {  	s14 =	sadd.s32 @!p0 $0xFFFFE79E, s14  }
0x24: {  	s17 =	simm.s32 @!p0 $0x0;
	s15 =	sxor.u32 @!p0 $0xFFFFFFFF, s12;
	s16 =	sshll.u32 @!p0 s14, $0xD  }
0x25: {  	s15 =	sshll.u32 @!p0 s15, $0xE;
	p1 =	sgt.s32 @!p0 s14, $0x7;
	s14 =	ssub.s32 @!p0 $0x10000, s16  }
0x26: {  	p1 =	por !p1, p0;
	s16 =	sshll.u32 @!p0 s11, $0x8;
	s14 =	sshrl.u32 @!p0 s14, $0x2  }
0x27: {  	s15 =	sand.u32 @!p0 $0x4000, s15;
	s16 =	sadd.s32 @!p0 s2, s16;
	s14 =	simm.s32 @!p1 $0x0  }
0x28: {  	[tilespmem:s15], [sflag:$0x1] =	stream.linear.gather @!p0 [hbm4b:s16+s17], s14, $0x38;
	[tilespmem:$0x10000] =	vst v63  }
0x29: {  	p0 =	seq.s32 s12, $0x0  }
0x2a: {  	p1 =	sge.u32 @!p0 s12, s7  }
0x2b: {  	p0 =	por p0, p1  }
.Ltmp2:
0x2c: {  	_ = 	snop;
	(pc) =	sbr.rel @p0 .LBB1_10-.Ltmp2, $1  }
0x2d: {  	_ =	sdelay $0x3  }
0x2e: {  	p0 =	sgt.s32 s10, $0x1862;
	s14 =	smov.u32 s10;
	s15 =	sshra.s32 s10, $0x1F  }
0x2f: {  	s14 =	simm.s32 @!p0 $0x1862;
	s15 =	sand.u32 s15, s10  }
0x30: {  	s14 =	ssub.s32 s14, s15  }
0x31: {  	s16 =	sadd.s32 $0x8, s10;
	s14 =	sadd.s32 $0xFFFFE79E, s14  }
0x32: {  	p1 =	slt.s32 s16, $0x186A;
	s30 =	sshll.u32 s14, $0xD  }
0x33: {  	s16 =	simm.s32 @!p1 $0x186A;
	s15 =	ssub.s32 $0x10000, s30  }
0x34: {  	p0 =	sgt.s32 s14, $0x7;
	s14 =	sshrl.u32 s15, $0x2;
	s15 =	ssub.s32 s16, s10  }
0x35: {  	s14 =	simm.s32 @p0 $0x0;
	p0 =	slt.s32 s15, $0x1  }
.Ltmp3:
0x36: {  	_ = 	snop;
	(pc) =	sbr.rel @p0 .LBB1_9-.Ltmp3, $4  }
0x37: {  	_ = 	snop  }
0x38: {  	_ =	swait.ge [sflag:s4], s14  }
0x39: {  	s31 =	ssub.s32 $0x0, s14;
	[sflag:s4] =	ssyncset.done $0x0  }
0x3a: {  	[sflag:s4] =	ssyncadd.s32 s31  }
0x3b: {  	s16 =	sshll.u32 s9, $0x2  }
0x3c: {  	s16 =	sand.u32 $0x10000, s16  }
0x3d: {  	s16 =	sshrl.u32 s16, $0x2  }
0x3e: {  	s18 =	simm.s32 $0x0;
	s19 =	simm.s32 $0x0;
	s17 =	sor.u32 $0x8000, s16  }
.LBB1_4:
0x3f: {  	s20 =	sshra.s32 s18, $0x2  }
0x40: {  	v0 =	vmov s20;
	_ =	sdelay $0x3  }
0x41: {  	p1 =	por $0x1, $0x1;
	s20 =	simm.s32 $0x0  }
.LBB1_5:
0x42: {  	_ = 	snop  }
0x43: {  	s21 =	sshll.u32 s20, $0xA  }
0x44: {  	s21 =	sand.u32 $0x3FFFFC00, s21  }
0x45: {  	s21 =	sadd.s32 s21, s16  }
0x46: {  	v5 =	vld.idx.msk [tilespmem:v0+s21+$0x70 ss:$0x1], $0xffff  }
0x47: {  	v6 =	vld.idx.msk [tilespmem:v0+s21+$0x10 ss:$0x1], $0xffff  }
0x48: {  	v7 =	vld.idx.msk [tilespmem:v0+s21+$0x20 ss:$0x1], $0xffff  }
0x49: {  	s31 =	sshll.u32 s20, $0x7;
	v1 =	vld.idx.msk [tilespmem:v0+s21+$0x30 ss:$0x1], $0xffff  }
0x4a: {  	s20 =	sand.u32 $0x3FFFFF80, s31;
	v2 =	vld.idx.msk [tilespmem:v0+s21+$0x40 ss:$0x1], $0xffff  }
0x4b: {  	s20 =	sadd.s32 s20, s17;
	v3 =	vld.idx.msk [tilespmem:v0+s21+$0x50 ss:$0x1], $0xffff  }
0x4c: {  	v4 =	vld.idx.msk [tilespmem:v0+s21+$0x60 ss:$0x1], $0xffff;
	[tilespmem:v0+s20+$0x70 ss:$0x1] =	vst.idx.msk $0xffff, v5  }
0x4d: {  	v5 =	vld.idx.msk [tilespmem:v0+s21+$0x0 ss:$0x1], $0xffff;
	[tilespmem:v0+s20+$0x10 ss:$0x1] =	vst.idx.msk $0xffff, v6;
	s21 =	sadd.s32 $0x80, s21  }
0x4e: {  	p0 =	por p1, p1;
	s22 =	simm.s32 $0x6;
	[tilespmem:v0+s20+$0x20 ss:$0x1] =	vst.idx.msk $0xffff, v7;
	v6 =	vld.idx.msk [tilespmem:v0+s21+$0x70 ss:$0x1], $0xffff  }
.LBB1_6:
0x4f: {  	p1 =	sne.s32 s22, $0x1;
	v7 =	vld.idx.msk [tilespmem:v0+s21+$0x10 ss:$0x1], $0xffff;
	[tilespmem:v0+s20+$0x30 ss:$0x1] =	vst.idx.msk $0xffff, v1  }
0x50: {  	v8 =	vld.idx.msk [tilespmem:v0+s21+$0x20 ss:$0x1], $0xffff;
	[tilespmem:v0+s20+$0x40 ss:$0x1] =	vst.idx.msk $0xffff, v2  }
0x51: {  	v1 =	vld.idx.msk [tilespmem:v0+s21+$0x30 ss:$0x1], $0xffff;
	[tilespmem:v0+s20+$0x50 ss:$0x1] =	vst.idx.msk $0xffff, v3  }
.Ltmp4:
0x52: {  	v2 =	vld.idx.msk [tilespmem:v0+s21+$0x40 ss:$0x1], $0xffff;
	[tilespmem:v0+s20+$0x60 ss:$0x1] =	vst.idx.msk $0xffff, v4;
	(pc) =	sbr.rel @p1 .LBB1_6-.Ltmp4, $4  }
0x53: {  	v3 =	vld.idx.msk [tilespmem:v0+s21+$0x50 ss:$0x1], $0xffff;
	[tilespmem:v0+s20+$0x0 ss:$0x1] =	vst.idx.msk $0xffff, v5;
	s20 =	sadd.s32 $0x100, s20  }
0x54: {  	v4 =	vld.idx.msk [tilespmem:v0+s21+$0x60 ss:$0x1], $0xffff;
	[tilespmem:v0+s20+$0x70 ss:$0x1] =	vst.idx.msk $0xffff, v6  }
0x55: {  	v5 =	vld.idx.msk [tilespmem:v0+s21+$0x0 ss:$0x1], $0xffff;
	[tilespmem:v0+s20+$0x10 ss:$0x1] =	vst.idx.msk $0xffff, v7;
	s21 =	sadd.s32 $0x80, s21  }
0x56: {  	s22 =	sadd.s32 $0xFFFFFFFF, s22;
	v6 =	vld.idx.msk [tilespmem:v0+s21+$0x70 ss:$0x1], $0xffff;
	[tilespmem:v0+s20+$0x20 ss:$0x1] =	vst.idx.msk $0xffff, v8  }
0x57: {  	_ =	sdelay $0x3  }
0x58: {  	[tilespmem:v0+s20+$0x30 ss:$0x1] =	vst.idx.msk $0xffff, v1  }
0x59: {  	v1 =	vld.idx.msk [tilespmem:v0+s21+$0x10 ss:$0x1], $0xffff;
	[tilespmem:v0+s20+$0x40 ss:$0x1] =	vst.idx.msk $0xffff, v2  }
0x5a: {  	v2 =	vld.idx.msk [tilespmem:v0+s21+$0x20 ss:$0x1], $0xffff;
	[tilespmem:v0+s20+$0x50 ss:$0x1] =	vst.idx.msk $0xffff, v3  }
0x5b: {  	v61 =	vld.idx.msk [tilespmem:v0+s21+$0x40 ss:$0x1], $0xffff;
	[tilespmem:v0+s20+$0x60 ss:$0x1] =	vst.idx.msk $0xffff, v4  }
0x5c: {  	s31 =	sadd.s32 $0x100, s20;
	v62 =	vld.idx.msk [tilespmem:v0+s21+$0x50 ss:$0x1], $0xffff;
	[tilespmem:v0+s20+$0x0 ss:$0x1] =	vst.idx.msk $0xffff, v5  }
0x5d: {  	v63 =	vld.idx.msk [tilespmem:v0+s21+$0x60 ss:$0x1], $0xffff;
	[tilespmem:v0+s31+$0x70 ss:$0x1] =	vst.idx.msk $0xffff, v6  }
0x5e: {  	v3 =	vld.idx.msk [tilespmem:v0+s21+$0x30 ss:$0x1], $0xffff;
	[tilespmem:v0+s31+$0x10 ss:$0x1] =	vst.idx.msk $0xffff, v1  }
0x5f: {  	v1 =	vld.idx.msk [tilespmem:v0+s21+$0x0 ss:$0x1], $0xffff;
	[tilespmem:v0+s31+$0x20 ss:$0x1] =	vst.idx.msk $0xffff, v2  }
.Ltmp5:
0x60: {  	[tilespmem:v0+s31+$0x40 ss:$0x1] =	vst.idx.msk $0xffff, v61;
	(pc) =	sbr.rel @p0 .LBB1_5-.Ltmp5, $4  }
0x61: {  	[tilespmem:v0+s31+$0x50 ss:$0x1] =	vst.idx.msk $0xffff, v62  }
0x62: {  	[tilespmem:v0+s31+$0x60 ss:$0x1] =	vst.idx.msk $0xffff, v63  }
0x63: {  	[tilespmem:v0+s31+$0x30 ss:$0x1] =	vst.idx.msk $0xffff, v3  }
0x64: {  	p1 =	por $0x0, $0x0;
	s20 =	simm.s32 $0x1;
	[tilespmem:v0+s31+$0x0 ss:$0x1] =	vst.idx.msk $0xffff, v1  }
0x65: {  	s19 =	sadd.s32 $0x1, s19  }
0x66: {  	p0 =	sne.s32 s19, s15  }
.Ltmp6:
0x67: {  	_ = 	snop;
	(pc) =	sbr.rel @p0 .LBB1_4-.Ltmp6, $4  }
.Ltmp7:
0x68: {  	_ = 	snop;
	(pc) =	sbr.rel @!p0 .LBB1_9-.Ltmp7, $4  }
0x69: {  	_ = 	snop  }
0x6a: {  	_ = 	snop  }
0x6b: {  	s18 =	sadd.s32 $0x2000, s18  }
0x6c: {  	_ = 	snop  }
.LBB1_11:
0x6d: {  	_ =	sfence.sel $0x180000  }
0x6e: {  	s2 =	simm.s32 $0x1;
	[bflag:$0x0] =	sbarrier.arrive $0xFFFF  }
0x6f: {  	s31 =	simm.s32 $0x2;
	[sflag:s2] =	ssyncpa.u1 $0x1  }
0x70: {  	[sflag:s31] =	ssyncpa.u1 $0x1  }
0x71: {  	p0 =	sne.s32 s1, $0x0;
	_ =	strace $0x90000047  }
0x72: {  	s0 =	sadd.s32 @!p0 $0x100000, s0;
	[bflag:$0x2] =	sbarrier.arrive $0xFFFF  }
0x73: {  	[sflag:s0] =	ssyncadd.tile.s32 @!p0 $0x1;
	_ =	shalt  }
.Lfunc_end1:
_tile_overlayer_lowered:
.L_overlay_start_2:
0x74: {  	(tag) =	ssettag $0x2  }
0x75: {  	s0 =	rddreg [dreg:$0x0];
	s2 =	stileid.u32  }
0x76: {  	s1 =	rddreg [dreg:$0x1];
	p0 =	sne.s32 s2, $0x0  }
0x77: {  	s3 =	rddreg [dreg:$0x2];
	[bflag:$0x3] =	sbarrier.arrive $0xFFFF;
	s2 =	simm.s32 @!p0 $0x1C01  }
0x78: {  	[timem:s3], [sflag:s2] =	dma.local @!p0 [hbm:s0], s1  }
0x79: {  	s0 =	simm.s32 @!p0 $0x1  }
0x7a: {  	_ =	swait.ge @!p0 [sflag:s0], s1  }
0x7b: {  	s1 =	ssub.s32 @!p0 $0x0, s1;
	[sflag:s0] =	ssyncset.done @!p0 $0x0  }
0x7c: {  	[sflag:s0] =	ssyncadd.s32 @!p0 s1  }
0x7d: {  	[bflag:$0x3] =	sbarrier.arrive $0xFFFF  }
0x7e: {  	_ =	shalt  }

</sc_bundles>
